<compile_context>
chip_gen: v7x
topology: tpu7x:2x2x1
jax: 0.10.2.dev20260603
libtpu: 0.0.44.dev20260713+nightly
codegen_flags: <defaults>
</compile_context>

<pallas_src>
import functools
import math

import jax
import jax.numpy as jnp
import numpy as np
from jax import lax
from jax.experimental import pallas as pl
from jax.experimental.pallas import tpu as pltpu
from jax.experimental.pallas import tpu_sc as plsc

D_CONTENT = 1024
D_POSITION = 32
NUM_TILES = 8
BATCH = 4
SEQ = 512

POS_BLK = 32
ROWS_BLK = POS_BLK * BATCH
NUM_BLOCKS = 24
SLOTS = NUM_BLOCKS * POS_BLK
N_DISPATCH = SLOTS * BATCH
N_TOKENS = BATCH * SEQ


def _make_pe_t(d_model, max_len):
    position = np.arange(max_len, dtype=np.float32)[:, None]
    div_term = np.exp(
        np.arange(0, d_model, 2, dtype=np.float32) * (-math.log(10000.0) / d_model))
    pe = np.zeros((max_len, d_model), dtype=np.float32)
    pe[:, 0::2] = np.sin(position * div_term)
    pe[:, 1::2] = np.cos(position * div_term)
    return pe.T.copy()


_PE_T = _make_pe_t(D_POSITION, SEQ)


def _router_body(pe_t_ref, sig_ref, gat_ref, comb_ref, btile_ref):
    sgn = jnp.sign(sig_ref[...])
    scores = lax.dot_general(
        sgn, pe_t_ref[...], (((1,), (0,)), ((), ())),
        preferred_element_type=jnp.float32)
    m = jnp.max(scores, axis=0, keepdims=True)
    tiota = lax.broadcasted_iota(jnp.int32, (NUM_TILES, SEQ), 0)
    idx_row = jnp.min(jnp.where(scores >= m, tiota, NUM_TILES),
                      axis=0, keepdims=True)
    onehot = (tiota == idx_row).astype(jnp.float32)

    counts = jnp.sum(onehot, axis=1, keepdims=True)
    nblk = jnp.floor((counts + (POS_BLK - 1.0)) * (1.0 / POS_BLK))
    g_r = lax.broadcasted_iota(jnp.int32, (NUM_TILES, NUM_TILES), 0)
    g_c = lax.broadcasted_iota(jnp.int32, (NUM_TILES, NUM_TILES), 1)
    trile8 = (g_c <= g_r).astype(jnp.float32)
    cumincl = lax.dot_general(trile8, nblk, (((1,), (0,)), ((), ())))
    cumexcl = cumincl - nblk
    slot_base = cumexcl * float(POS_BLK)

    s_r = lax.broadcasted_iota(jnp.int32, (SEQ, SEQ), 0)
    s_c = lax.broadcasted_iota(jnp.int32, (SEQ, SEQ), 1)
    triu = (s_r <= s_c).astype(jnp.float32)
    csum = lax.dot_general(onehot, triu, (((1,), (0,)), ((), ())))
    rank = jnp.sum(onehot * csum, axis=0, keepdims=True) - 1.0
    slot = jnp.sum(onehot * slot_base, axis=0, keepdims=True) + rank

    j_iota = lax.broadcasted_iota(jnp.int32, (SLOTS, SEQ), 0)
    slotmat = (slot == j_iota).astype(jnp.float32)
    s_col = lax.broadcasted_iota(jnp.int32, (SEQ, 1), 0)
    pos_for_slot = lax.dot_general(
        slotmat, s_col, (((1,), (0,)), ((), ())))
    valid = jnp.sum(slotmat, axis=1, keepdims=True)
    j_col = lax.broadcasted_iota(jnp.int32, (SLOTS, 1), 0)
    pos_for_slot = pos_for_slot + (1.0 - valid) * (j_col % SEQ)

    b_iota_g = lax.broadcasted_iota(jnp.int32, (SLOTS, BATCH), 1)
    gat_ref[...] = (pos_for_slot + float(SEQ) * b_iota_g).astype(jnp.int32)

    b_iota_c = lax.broadcasted_iota(jnp.int32, (BATCH, SEQ), 0)
    comb_ref[...] = (slot * float(BATCH) + b_iota_c).astype(jnp.int32)

    nb_iota = lax.broadcasted_iota(jnp.int32, (NUM_TILES, NUM_BLOCKS), 1)
    btile = jnp.sum((nb_iota >= cumincl).astype(jnp.float32),
                    axis=0, keepdims=True)
    btile_ref[...] = jnp.minimum(btile, float(NUM_TILES - 1)).astype(jnp.int32)


def _route(tile_sigs, interpret=False):
    pe_t = jnp.asarray(_PE_T)
    return pl.pallas_call(
        _router_body,
        out_shape=[
            jax.ShapeDtypeStruct((SLOTS, BATCH), jnp.int32),
            jax.ShapeDtypeStruct((BATCH, SEQ), jnp.int32),
            jax.ShapeDtypeStruct((1, NUM_BLOCKS), jnp.int32),
        ],
        interpret=interpret,
    )(pe_t, tile_sigs)


def _mm_body(btile_ref, xs_ref, w_ref, b_ref, out_ref):
    out_ref[...] = lax.dot_general(
        xs_ref[...], w_ref[0], (((1,), (1,)), ((), ())),
        preferred_element_type=jnp.float32) + b_ref[0]


def _grouped_matmul(btile, xs, W, b, interpret=False):
    grid_spec = pltpu.PrefetchScalarGridSpec(
        num_scalar_prefetch=1,
        grid=(NUM_BLOCKS,),
        in_specs=[
            pl.BlockSpec((ROWS_BLK, D_CONTENT), lambda nb, bt: (nb, 0)),
            pl.BlockSpec((1, D_CONTENT, D_CONTENT),
                         lambda nb, bt: (bt[0, nb], 0, 0)),
            pl.BlockSpec((1, 1, D_CONTENT), lambda nb, bt: (bt[0, nb], 0, 0)),
        ],
        out_specs=pl.BlockSpec((ROWS_BLK, D_CONTENT), lambda nb, bt: (nb, 0)),
    )
    return pl.pallas_call(
        _mm_body,
        grid_spec=grid_spec,
        out_shape=jax.ShapeDtypeStruct((N_DISPATCH, D_CONTENT), jnp.float32),
        interpret=interpret,
    )(btile, xs, W, b.reshape(NUM_TILES, 1, D_CONTENT))


SC_CORES = 2
SC_SUBCORES = 16
SC_WORKERS = SC_CORES * SC_SUBCORES


@functools.lru_cache(maxsize=None)
def _sc_dispatch():
    per = N_DISPATCH // SC_WORKERS
    mesh = plsc.VectorSubcoreMesh(core_axis_name="c", subcore_axis_name="s")

    @functools.partial(
        pl.kernel,
        mesh=mesh,
        out_type=jax.ShapeDtypeStruct((N_DISPATCH, D_CONTENT), jnp.float32),
        scratch_types=[
            pltpu.VMEM((per,), jnp.int32),
            pltpu.VMEM((per, D_CONTENT), jnp.float32),
            pltpu.SemaphoreType.DMA,
        ],
    )
    def gather_k(table_hbm, idx_hbm, out_hbm, idx_v, rows_v, sem):
        wid = lax.axis_index("s") * SC_CORES + lax.axis_index("c")
        base = wid * per
        pltpu.sync_copy(idx_hbm.at[pl.ds(base, per)], idx_v)
        pltpu.async_copy(table_hbm.at[idx_v], rows_v, sem).wait()
        pltpu.sync_copy(rows_v, out_hbm.at[pl.ds(base, per)])

    return gather_k


@functools.lru_cache(maxsize=None)
def _sc_combine():
    per = N_TOKENS // SC_WORKERS
    spans = SEQ // per
    mesh = plsc.VectorSubcoreMesh(core_axis_name="c", subcore_axis_name="s")

    @functools.partial(
        pl.kernel,
        mesh=mesh,
        out_type=jax.ShapeDtypeStruct((BATCH, SEQ, D_CONTENT), jnp.float32),
        scratch_types=[
            pltpu.VMEM((per,), jnp.int32),
            pltpu.VMEM((per, D_CONTENT), jnp.float32),
            pltpu.SemaphoreType.DMA,
        ],
    )
    def gather_k(table_hbm, idx_hbm, out_hbm, idx_v, rows_v, sem):
        wid = lax.axis_index("s") * SC_CORES + lax.axis_index("c")
        bb = wid // spans
        s0 = (wid % spans) * per
        pltpu.sync_copy(idx_hbm.at[bb, pl.ds(s0, per)], idx_v)
        pltpu.async_copy(table_hbm.at[idx_v], rows_v, sem).wait()
        pltpu.sync_copy(rows_v, out_hbm.at[bb, pl.ds(s0, per)])

    return gather_k


def kernel(x, tile_sigs, W, b):
    gat, comb, btile = _route(tile_sigs)
    x_flat = x.reshape(N_TOKENS, D_CONTENT)
    xs = _sc_dispatch()(x_flat, gat.reshape(N_DISPATCH))
    ys = _grouped_matmul(btile, xs, W, b)
    return _sc_combine()(ys, comb)

# --- scband reference (transcript-rebuilt; emitter-appended) ---
"""Pipeline reference for scband-position-only-router-51934744543481 (READ-ONLY COPY).

The authoritative reference and input builder live on the scoring server;
editing this copy changes nothing except your own understanding.
"""

import jax, jax.numpy as jnp
import numpy as np
import math

D_CONTENT = 1024
D_POSITION = 32
NUM_TILES = 8
BATCH = 4
SEQ = 512
MAX_LEN = 512


def make_pe(d_model, max_len=MAX_LEN):
    position = np.arange(max_len, dtype=np.float32)[:, None]
    div_term = np.exp(np.arange(0, d_model, 2, dtype=np.float32) * (-math.log(10000.0) / d_model))
    pe = np.zeros((max_len, d_model), dtype=np.float32)
    pe[:, 0::2] = np.sin(position * div_term)
    pe[:, 1::2] = np.cos(position * div_term)
    return jnp.asarray(pe)


def setup_inputs(seed: int = 0) -> dict:
    key = jax.random.key(seed)
    k_x, k_sig, k_w = jax.random.split(key, 3)
    x = jax.random.normal(k_x, (BATCH, SEQ, D_CONTENT), dtype=jnp.float32)
    tile_sigs = jax.random.normal(k_sig, (NUM_TILES, D_POSITION), dtype=jnp.float32)
    # torch nn.Linear weight layout: [out_features, in_features]; stacked per tile
    bound = 1.0 / math.sqrt(D_CONTENT)
    W = jax.random.uniform(k_w, (NUM_TILES, D_CONTENT, D_CONTENT), dtype=jnp.float32, minval=-bound, maxval=bound)
    b = jax.random.uniform(jax.random.fold_in(k_w, 1), (NUM_TILES, D_CONTENT), dtype=jnp.float32, minval=-bound, maxval=bound)
    return {"x": x, "tile_sigs": tile_sigs, "W": W, "b": b}


def reference(x, tile_sigs, W, b):
    batch, seq, d = x.shape
    pe = make_pe(D_POSITION)[:seq]  # [seq, d_position]
    pos_enc = jnp.broadcast_to(pe[None, :, :], (batch, seq, D_POSITION))
    # scores = einsum('bsp,tp->bst', pos_enc, sign(tile_sigs))
    scores = jnp.einsum('bsp,tp->bst', pos_enc, jnp.sign(tile_sigs))
    indices = jnp.argmax(scores, axis=-1)  # [batch, seq]
    # per-token linear: output[b,s] = W[idx] @ x[b,s] + bias[idx]
    # vectorized faithfully: compute all tile outputs then gather selected tile
    y_all = jnp.einsum('bsd,tod->bsto', x, W) + b[None, None, :, :]  # [b, s, t, d]
    out = jnp.take_along_axis(y_all, indices[:, :, None, None], axis=2)[:, :, 0, :]
    return out

if __name__ == "__main__":
    import jax
    _d = setup_inputs()
    print(jax.jit(kernel)(*tuple(_d.values())))

</pallas_src>

<mosaic_0001>
#map = affine_map<(d0, d1) -> (0, 0)>
#map1 = affine_map<(d0, d1) -> (0, 0, 0)>
module attributes {stable_mosaic.version = 14 : i64} {
  func.func @gather_k(%arg0: i32, %arg1: i32, %arg2: memref<3072x1024xf32, #tpu.memory_space<hbm>>, %arg3: memref<4x512xi32, #tpu.memory_space<hbm>>, %arg4: memref<4x512x1024xf32, #tpu.memory_space<hbm>>, %arg5: memref<64xi32, #tpu.memory_space<vmem>>, %arg6: memref<64x1024xf32, #tpu.memory_space<vmem>>, %arg7: memref<!tpu.dma_semaphore, #tpu.memory_space<semaphore_mem>>) attributes {dimension_semantics = [#tpu.dimension_semantics<core_parallel>, #tpu.dimension_semantics<subcore_parallel>], iteration_bounds = array<i64: 2, 16>, scalar_prefetch = 0 : i64, scratch_operands = 3 : i64, tpu.core_type = #tpu.core_type<sc_vector_subcore>, window_params = [{transform_indices = #map}, {transform_indices = #map}, {transform_indices = #map1}]} {
    %mul3A = arith.constant 2 : i32
    %mul3A_0 = arith.muli %arg1, %mul3A : i32
    %add3A = arith.addi %mul3A_0, %arg0 : i32
    %jit3A = arith.constant 8 : i32
    %div3A = arith.divsi %add3A, %jit3A : i32
    %sign3A = arith.constant 0 : i32
    %sign3A_1 = arith.cmpi sgt, %add3A, %sign3A : i32
    %sign3A_2 = arith.extui %sign3A_1 : i1 to i32
    %sign3A_3 = arith.constant 0 : i32
    %sign3A_4 = arith.cmpi slt, %add3A, %sign3A_3 : i32
    %sign3A_5 = arith.extui %sign3A_4 : i1 to i32
    %sign3A_6 = arith.subi %sign3A_2, %sign3A_5 : i32
    %sign3A_7 = arith.constant 0 : i32
    %sign3A_8 = arith.cmpi sgt, %jit3A, %sign3A_7 : i32
    %sign3A_9 = arith.extui %sign3A_8 : i1 to i32
    %sign3A_10 = arith.constant 0 : i32
    %sign3A_11 = arith.cmpi slt, %jit3A, %sign3A_10 : i32
    %sign3A_12 = arith.extui %sign3A_11 : i1 to i32
    %sign3A_13 = arith.subi %sign3A_9, %sign3A_12 : i32
    %ne3A = arith.cmpi ne, %sign3A_6, %sign3A_13 : i32
    %rem3A = arith.remsi %add3A, %jit3A : i32
    %ne3A_14 = arith.constant 0 : i32
    %ne3A_15 = arith.cmpi ne, %rem3A, %ne3A_14 : i32
    %and3A = arith.andi %ne3A, %ne3A_15 : i1
    %sub3A = arith.constant 1 : i32
    %sub3A_16 = arith.subi %div3A, %sub3A : i32
    %select_n3A = arith.select %and3A, %sub3A_16, %div3A : i32
    %jit3A_17 = arith.constant 8 : i32
    %eq3A = arith.constant 0 : i32
    %eq3A_18 = arith.cmpi eq, %jit3A_17, %eq3A : i32
    %jit3A_19 = arith.constant 1 : i32
    %select_n3A_20 = arith.select %eq3A_18, %jit3A_19, %jit3A_17 : i32
    %rem3A_21 = arith.remsi %add3A, %select_n3A_20 : i32
    %ne3A_22 = arith.constant 0 : i32
    %ne3A_23 = arith.cmpi ne, %rem3A_21, %ne3A_22 : i32
    %lt3A = arith.constant 0 : i32
    %lt3A_24 = arith.cmpi slt, %rem3A_21, %lt3A : i32
    %lt3A_25 = arith.constant 0 : i32
    %lt3A_26 = arith.cmpi slt, %select_n3A_20, %lt3A_25 : i32
    %ne3A_27 = arith.xori %lt3A_24, %lt3A_26 : i1
    %and3A_28 = arith.andi %ne3A_27, %ne3A_23 : i1
    %add3A_29 = arith.addi %rem3A_21, %select_n3A_20 : i32
    %select_n3A_30 = arith.select %and3A_28, %add3A_29, %rem3A_21 : i32
    %mul3A_31 = arith.constant 64 : i32
    %mul3A_32 = arith.muli %select_n3A_30, %mul3A_31 : i32
    "tpu.region"() ({
      %run_scoped3A = tpu.sem_alloc : memref<!tpu.dma_semaphore, #tpu.memory_space<semaphore_mem>>
      %dma_start3A_37 = tpu.memref_slice %arg3[%select_n3A, %mul3A_32] : memref<4x512xi32, #tpu.memory_space<hbm>> -> memref<1x64xi32, #tpu.memory_space<hbm>>
      %dma_start3A_38 = tpu.memref_squeeze %dma_start3A_37 : memref<1x64xi32, #tpu.memory_space<hbm>> -> memref<64xi32, #tpu.memory_space<hbm>>
      %dma_start3A_39 = tpu.memref_slice %arg3[%select_n3A, %mul3A_32] : memref<4x512xi32, #tpu.memory_space<hbm>> -> memref<1x64xi32, #tpu.memory_space<hbm>>
      %dma_start3A_40 = tpu.memref_squeeze %dma_start3A_39 : memref<1x64xi32, #tpu.memory_space<hbm>> -> memref<64xi32, #tpu.memory_space<hbm>>
      tpu.enqueue_dma source(%dma_start3A_40 : memref<64xi32, #tpu.memory_space<hbm>>) target(%arg5 : memref<64xi32, #tpu.memory_space<vmem>>) target_semaphore(%run_scoped3A : memref<!tpu.dma_semaphore, #tpu.memory_space<semaphore_mem>>)
      %dma_wait3A_41 = tpu.memref_slice %arg3[%select_n3A, %mul3A_32] : memref<4x512xi32, #tpu.memory_space<hbm>> -> memref<1x64xi32, #tpu.memory_space<hbm>>
      %dma_wait3A_42 = tpu.memref_squeeze %dma_wait3A_41 : memref<1x64xi32, #tpu.memory_space<hbm>> -> memref<64xi32, #tpu.memory_space<hbm>>
      %dma_wait3A_43 = tpu.memref_slice %arg3[%select_n3A, %mul3A_32] : memref<4x512xi32, #tpu.memory_space<hbm>> -> memref<1x64xi32, #tpu.memory_space<hbm>>
      %dma_wait3A_44 = tpu.memref_squeeze %dma_wait3A_43 : memref<1x64xi32, #tpu.memory_space<hbm>> -> memref<64xi32, #tpu.memory_space<hbm>>
      tpu.wait_dma2 semaphore(%run_scoped3A : memref<!tpu.dma_semaphore, #tpu.memory_space<semaphore_mem>>) src(%dma_wait3A_44 : memref<64xi32, #tpu.memory_space<hbm>>) dst(%arg5 : memref<64xi32, #tpu.memory_space<vmem>>)
      tpu.yield
    }) : () -> ()
    %dma_start3A = arith.constant 0 : i32
    %dma_start3A_33 = arith.constant 0 : i32
    %dma_start3A_34 = tpu.memref_slice %arg2[%dma_start3A, %dma_start3A_33] : memref<3072x1024xf32, #tpu.memory_space<hbm>> -> memref<3072x1024xf32, #tpu.memory_space<hbm>>
    tpu.enqueue_indirect_dma source(%dma_start3A_34 : memref<3072x1024xf32, #tpu.memory_space<hbm>>) target(%arg6 : memref<64x1024xf32, #tpu.memory_space<vmem>>) offsets(%arg5 : memref<64xi32, #tpu.memory_space<vmem>>) semaphore(%arg7 : memref<!tpu.dma_semaphore, #tpu.memory_space<semaphore_mem>>)
    %dma_wait3A = arith.constant 0 : i32
    %dma_wait3A_35 = arith.constant 0 : i32
    %dma_wait3A_36 = tpu.memref_slice %arg2[%dma_wait3A, %dma_wait3A_35] : memref<3072x1024xf32, #tpu.memory_space<hbm>> -> memref<3072x1024xf32, #tpu.memory_space<hbm>>
    tpu.wait_indirect_dma semaphore(%arg7 : memref<!tpu.dma_semaphore, #tpu.memory_space<semaphore_mem>>) src(%dma_wait3A_36 : memref<3072x1024xf32, #tpu.memory_space<hbm>>) dst(%arg6 : memref<64x1024xf32, #tpu.memory_space<vmem>>)
    "tpu.region"() ({
      %run_scoped3A = tpu.sem_alloc : memref<!tpu.dma_semaphore, #tpu.memory_space<semaphore_mem>>
      %dma_start3A_37 = arith.constant 0 : i32
      %dma_start3A_38 = tpu.memref_slice %arg4[%select_n3A, %mul3A_32, %dma_start3A_37] : memref<4x512x1024xf32, #tpu.memory_space<hbm>> -> memref<1x64x1024xf32, #tpu.memory_space<hbm>>
      %dma_start3A_39 = tpu.memref_squeeze %dma_start3A_38 : memref<1x64x1024xf32, #tpu.memory_space<hbm>> -> memref<64x1024xf32, #tpu.memory_space<hbm>>
      %dma_start3A_40 = arith.constant 0 : i32
      %dma_start3A_41 = tpu.memref_slice %arg4[%select_n3A, %mul3A_32, %dma_start3A_40] : memref<4x512x1024xf32, #tpu.memory_space<hbm>> -> memref<1x64x1024xf32, #tpu.memory_space<hbm>>
      %dma_start3A_42 = tpu.memref_squeeze %dma_start3A_41 : memref<1x64x1024xf32, #tpu.memory_space<hbm>> -> memref<64x1024xf32, #tpu.memory_space<hbm>>
      tpu.enqueue_dma source(%arg6 : memref<64x1024xf32, #tpu.memory_space<vmem>>) target(%dma_start3A_42 : memref<64x1024xf32, #tpu.memory_space<hbm>>) target_semaphore(%run_scoped3A : memref<!tpu.dma_semaphore, #tpu.memory_space<semaphore_mem>>)
      %dma_wait3A_43 = arith.constant 0 : i32
      %dma_wait3A_44 = tpu.memref_slice %arg4[%select_n3A, %mul3A_32, %dma_wait3A_43] : memref<4x512x1024xf32, #tpu.memory_space<hbm>> -> memref<1x64x1024xf32, #tpu.memory_space<hbm>>
      %dma_wait3A_45 = tpu.memref_squeeze %dma_wait3A_44 : memref<1x64x1024xf32, #tpu.memory_space<hbm>> -> memref<64x1024xf32, #tpu.memory_space<hbm>>
      %dma_wait3A_46 = arith.constant 0 : i32
      %dma_wait3A_47 = tpu.memref_slice %arg4[%select_n3A, %mul3A_32, %dma_wait3A_46] : memref<4x512x1024xf32, #tpu.memory_space<hbm>> -> memref<1x64x1024xf32, #tpu.memory_space<hbm>>
      %dma_wait3A_48 = tpu.memref_squeeze %dma_wait3A_47 : memref<1x64x1024xf32, #tpu.memory_space<hbm>> -> memref<64x1024xf32, #tpu.memory_space<hbm>>
      tpu.wait_dma2 semaphore(%run_scoped3A : memref<!tpu.dma_semaphore, #tpu.memory_space<semaphore_mem>>) src(%arg6 : memref<64x1024xf32, #tpu.memory_space<vmem>>) dst(%dma_wait3A_48 : memref<64x1024xf32, #tpu.memory_space<hbm>>)
      tpu.yield
    }) : () -> ()
    return
  }
}

#map = affine_map<(d0, d1) -> (0, 0)>
#map1 = affine_map<(d0, d1) -> (0)>
module attributes {stable_mosaic.version = 14 : i64} {
  func.func @gather_k(%arg0: i32, %arg1: i32, %arg2: memref<2048x1024xf32, #tpu.memory_space<hbm>>, %arg3: memref<3072xi32, #tpu.memory_space<hbm>>, %arg4: memref<3072x1024xf32, #tpu.memory_space<hbm>>, %arg5: memref<96xi32, #tpu.memory_space<vmem>>, %arg6: memref<96x1024xf32, #tpu.memory_space<vmem>>, %arg7: memref<!tpu.dma_semaphore, #tpu.memory_space<semaphore_mem>>) attributes {dimension_semantics = [#tpu.dimension_semantics<core_parallel>, #tpu.dimension_semantics<subcore_parallel>], iteration_bounds = array<i64: 2, 16>, scalar_prefetch = 0 : i64, scratch_operands = 3 : i64, tpu.core_type = #tpu.core_type<sc_vector_subcore>, window_params = [{transform_indices = #map}, {transform_indices = #map1}, {transform_indices = #map}]} {
    %mul3A = arith.constant 2 : i32
    %mul3A_0 = arith.muli %arg1, %mul3A : i32
    %add3A = arith.addi %mul3A_0, %arg0 : i32
    %mul3A_1 = arith.constant 96 : i32
    %mul3A_2 = arith.muli %add3A, %mul3A_1 : i32
    "tpu.region"() ({
      %run_scoped3A = tpu.sem_alloc : memref<!tpu.dma_semaphore, #tpu.memory_space<semaphore_mem>>
      %dma_start3A_7 = tpu.memref_slice %arg3[%mul3A_2] : memref<3072xi32, #tpu.memory_space<hbm>> -> memref<96xi32, #tpu.memory_space<hbm>>
      %dma_start3A_8 = tpu.memref_slice %arg3[%mul3A_2] : memref<3072xi32, #tpu.memory_space<hbm>> -> memref<96xi32, #tpu.memory_space<hbm>>
      tpu.enqueue_dma source(%dma_start3A_8 : memref<96xi32, #tpu.memory_space<hbm>>) target(%arg5 : memref<96xi32, #tpu.memory_space<vmem>>) target_semaphore(%run_scoped3A : memref<!tpu.dma_semaphore, #tpu.memory_space<semaphore_mem>>)
      %dma_wait3A_9 = tpu.memref_slice %arg3[%mul3A_2] : memref<3072xi32, #tpu.memory_space<hbm>> -> memref<96xi32, #tpu.memory_space<hbm>>
      %dma_wait3A_10 = tpu.memref_slice %arg3[%mul3A_2] : memref<3072xi32, #tpu.memory_space<hbm>> -> memref<96xi32, #tpu.memory_space<hbm>>
      tpu.wait_dma2 semaphore(%run_scoped3A : memref<!tpu.dma_semaphore, #tpu.memory_space<semaphore_mem>>) src(%dma_wait3A_10 : memref<96xi32, #tpu.memory_space<hbm>>) dst(%arg5 : memref<96xi32, #tpu.memory_space<vmem>>)
      tpu.yield
    }) : () -> ()
    %dma_start3A = arith.constant 0 : i32
    %dma_start3A_3 = arith.constant 0 : i32
    %dma_start3A_4 = tpu.memref_slice %arg2[%dma_start3A, %dma_start3A_3] : memref<2048x1024xf32, #tpu.memory_space<hbm>> -> memref<2048x1024xf32, #tpu.memory_space<hbm>>
    tpu.enqueue_indirect_dma source(%dma_start3A_4 : memref<2048x1024xf32, #tpu.memory_space<hbm>>) target(%arg6 : memref<96x1024xf32, #tpu.memory_space<vmem>>) offsets(%arg5 : memref<96xi32, #tpu.memory_space<vmem>>) semaphore(%arg7 : memref<!tpu.dma_semaphore, #tpu.memory_space<semaphore_mem>>)
    %dma_wait3A = arith.constant 0 : i32
    %dma_wait3A_5 = arith.constant 0 : i32
    %dma_wait3A_6 = tpu.memref_slice %arg2[%dma_wait3A, %dma_wait3A_5] : memref<2048x1024xf32, #tpu.memory_space<hbm>> -> memref<2048x1024xf32, #tpu.memory_space<hbm>>
    tpu.wait_indirect_dma semaphore(%arg7 : memref<!tpu.dma_semaphore, #tpu.memory_space<semaphore_mem>>) src(%dma_wait3A_6 : memref<2048x1024xf32, #tpu.memory_space<hbm>>) dst(%arg6 : memref<96x1024xf32, #tpu.memory_space<vmem>>)
    "tpu.region"() ({
      %run_scoped3A = tpu.sem_alloc : memref<!tpu.dma_semaphore, #tpu.memory_space<semaphore_mem>>
      %dma_start3A_7 = arith.constant 0 : i32
      %dma_start3A_8 = tpu.memref_slice %arg4[%mul3A_2, %dma_start3A_7] : memref<3072x1024xf32, #tpu.memory_space<hbm>> -> memref<96x1024xf32, #tpu.memory_space<hbm>>
      %dma_start3A_9 = arith.constant 0 : i32
      %dma_start3A_10 = tpu.memref_slice %arg4[%mul3A_2, %dma_start3A_9] : memref<3072x1024xf32, #tpu.memory_space<hbm>> -> memref<96x1024xf32, #tpu.memory_space<hbm>>
      tpu.enqueue_dma source(%arg6 : memref<96x1024xf32, #tpu.memory_space<vmem>>) target(%dma_start3A_10 : memref<96x1024xf32, #tpu.memory_space<hbm>>) target_semaphore(%run_scoped3A : memref<!tpu.dma_semaphore, #tpu.memory_space<semaphore_mem>>)
      %dma_wait3A_11 = arith.constant 0 : i32
      %dma_wait3A_12 = tpu.memref_slice %arg4[%mul3A_2, %dma_wait3A_11] : memref<3072x1024xf32, #tpu.memory_space<hbm>> -> memref<96x1024xf32, #tpu.memory_space<hbm>>
      %dma_wait3A_13 = arith.constant 0 : i32
      %dma_wait3A_14 = tpu.memref_slice %arg4[%mul3A_2, %dma_wait3A_13] : memref<3072x1024xf32, #tpu.memory_space<hbm>> -> memref<96x1024xf32, #tpu.memory_space<hbm>>
      tpu.wait_dma2 semaphore(%run_scoped3A : memref<!tpu.dma_semaphore, #tpu.memory_space<semaphore_mem>>) src(%arg6 : memref<96x1024xf32, #tpu.memory_space<vmem>>) dst(%dma_wait3A_14 : memref<96x1024xf32, #tpu.memory_space<hbm>>)
      tpu.yield
    }) : () -> ()
    return
  }
}

module attributes {stable_mosaic.version = 14 : i64} {
  func.func @_mm_body(%arg0: i32, %arg1: memref<1x24xi32, #tpu.memory_space<smem>>, %arg2: memref<128x1024xf32, #tpu.memory_space<vmem>>, %arg3: memref<1x1024x1024xf32, #tpu.memory_space<vmem>>, %arg4: memref<1x1x1024xf32, #tpu.memory_space<vmem>>, %arg5: memref<128x1024xf32, #tpu.memory_space<vmem>>) attributes {dimension_semantics = [#tpu.dimension_semantics<arbitrary>], iteration_bounds = array<i64: 24>, scalar_prefetch = 1 : i64, scratch_operands = 0 : i64, tpu.core_type = #tpu.core_type<tc>, window_params = [{transform_indices = @transform_0, window_bounds = array<i64: 128, 1024>}, {transform_indices = @transform_1, window_bounds = array<i64: 1, 1024, 1024>}, {transform_indices = @transform_2, window_bounds = array<i64: 1, 1, 1024>}, {transform_indices = @transform_3, window_bounds = array<i64: 128, 1024>}]} {
    %get3A = arith.constant 0 : index
    %get3A_0 = arith.constant 0 : index
    %get3A_1 = vector.load %arg2[%get3A, %get3A_0] : memref<128x1024xf32, #tpu.memory_space<vmem>>, vector<128x1024xf32>
    %get3A_2 = arith.constant 0 : index
    %get3A_3 = arith.constant 0 : index
    %get3A_4 = arith.constant 0 : index
    %get3A_5 = vector.load %arg3[%get3A_2, %get3A_3, %get3A_4] : memref<1x1024x1024xf32, #tpu.memory_space<vmem>>, vector<1x1024x1024xf32>
    %get3A_6 = vector.shape_cast %get3A_5 : vector<1x1024x1024xf32> to vector<1024x1024xf32>
    %dot_general3A = arith.constant dense<0.000000e+00> : vector<128x1024xf32>
    %dot_general3A_7 = tpu.matmul %get3A_1, %get3A_6, %dot_general3A {dimension_numbers = #tpu.dot_dimension_numbers<[1], [1], [0], [0], [0, 0, 1, 0], [], []>, transpose_lhs_hint = false} : vector<128x1024xf32>, vector<1024x1024xf32>, vector<128x1024xf32> -> vector<128x1024xf32>
    %get3A_8 = arith.constant 0 : index
    %get3A_9 = arith.constant 0 : index
    %get3A_10 = arith.constant 0 : index
    %get3A_11 = vector.load %arg4[%get3A_8, %get3A_9, %get3A_10] : memref<1x1x1024xf32, #tpu.memory_space<vmem>>, vector<1x1x1024xf32>
    %get3A_12 = vector.shape_cast %get3A_11 : vector<1x1x1024xf32> to vector<1x1024xf32>
    %add3A = vector.broadcast %get3A_12 : vector<1x1024xf32> to vector<128x1024xf32>
    %add3A_13 = arith.addf %dot_general3A_7, %add3A : vector<128x1024xf32>
    %swap3A = arith.constant 0 : index
    %swap3A_14 = arith.constant 0 : index
    %swap3A_15 = vector.load %arg5[%swap3A, %swap3A_14] : memref<128x1024xf32, #tpu.memory_space<vmem>>, vector<128x1024xf32>
    tpu.vector_store %arg5[%swap3A, %swap3A_14], %add3A_13 {strides = array<i32>} : memref<128x1024xf32, #tpu.memory_space<vmem>>, vector<128x1024xf32>,
    return
  }
  func.func @transform_0(%arg0: i32, %arg1: memref<1x24xi32, #tpu.memory_space<smem>>) -> (i32, i32) {
    %c0_i32 = arith.constant 0 : i32
    %c0_i32_0 = arith.constant 0 : i32
    return %arg0, %c0_i32 : i32, i32
  }
  func.func @transform_1(%arg0: i32, %arg1: memref<1x24xi32, #tpu.memory_space<smem>>) -> (i32, i32, i32) {
    %get3A = arith.constant 0 : index
    %get3A_0 = arith.index_cast %arg0 : i32 to index
    %get3A_1 = memref.load %arg1[%get3A, %get3A_0] : memref<1x24xi32, #tpu.memory_space<smem>>
    %c0_i32 = arith.constant 0 : i32
    %c0_i32_2 = arith.constant 0 : i32
    %c0_i32_3 = arith.constant 0 : i32
    return %get3A_1, %c0_i32, %c0_i32_2 : i32, i32, i32
  }
  func.func @transform_2(%arg0: i32, %arg1: memref<1x24xi32, #tpu.memory_space<smem>>) -> (i32, i32, i32) {
    %get3A = arith.constant 0 : index
    %get3A_0 = arith.index_cast %arg0 : i32 to index
    %get3A_1 = memref.load %arg1[%get3A, %get3A_0] : memref<1x24xi32, #tpu.memory_space<smem>>
    %c0_i32 = arith.constant 0 : i32
    %c0_i32_2 = arith.constant 0 : i32
    %c0_i32_3 = arith.constant 0 : i32
    return %get3A_1, %c0_i32, %c0_i32_2 : i32, i32, i32
  }
  func.func @transform_3(%arg0: i32, %arg1: memref<1x24xi32, #tpu.memory_space<smem>>) -> (i32, i32) {
    %c0_i32 = arith.constant 0 : i32
    %c0_i32_0 = arith.constant 0 : i32
    return %arg0, %c0_i32 : i32, i32
  }
}

module attributes {stable_mosaic.version = 14 : i64} {
  func.func @_router_body(%arg0: memref<32x512xf32, #tpu.memory_space<vmem>>, %arg1: memref<8x32xf32, #tpu.memory_space<vmem>>, %arg2: memref<768x4xi32, #tpu.memory_space<vmem>>, %arg3: memref<4x512xi32, #tpu.memory_space<vmem>>, %arg4: memref<1x24xi32, #tpu.memory_space<vmem>>) attributes {dimension_semantics = [], scalar_prefetch = 0 : i64, scratch_operands = 0 : i64, tpu.core_type = #tpu.core_type<tc>} {
    %get3A = arith.constant 0 : index
    %get3A_0 = arith.constant 0 : index
    %get3A_1 = vector.load %arg1[%get3A, %get3A_0] : memref<8x32xf32, #tpu.memory_space<vmem>>, vector<8x32xf32>
    %sign3A = tpu.bitcast %get3A_1 : vector<8x32xf32> -> vector<8x32xi32>
    %sign3A_2 = arith.constant -2147483648 : i32
    %sign3A_3 = vector.broadcast %sign3A_2 : i32 to vector<8x32xi32>
    %sign3A_4 = arith.andi %sign3A, %sign3A_3 : vector<8x32xi32>
    %sign3A_5 = arith.constant 1065353216 : i32
    %sign3A_6 = vector.broadcast %sign3A_5 : i32 to vector<8x32xi32>
    %sign3A_7 = arith.ori %sign3A_6, %sign3A_4 : vector<8x32xi32>
    %sign3A_8 = tpu.bitcast %sign3A_7 : vector<8x32xi32> -> vector<8x32xf32>
    %sign3A_9 = math.absf %get3A_1 : vector<8x32xf32>
    %sign3A_10 = arith.constant 0.000000e+00 : f32
    %sign3A_11 = vector.broadcast %sign3A_10 : f32 to vector<8x32xf32>
    %sign3A_12 = arith.cmpf ogt, %sign3A_9, %sign3A_11 : vector<8x32xf32>
    %sign3A_13 = arith.select %sign3A_12, %sign3A_8, %get3A_1 : vector<8x32xi1>, vector<8x32xf32>
    %get3A_14 = arith.constant 0 : index
    %get3A_15 = arith.constant 0 : index
    %get3A_16 = vector.load %arg0[%get3A_14, %get3A_15] : memref<32x512xf32, #tpu.memory_space<vmem>>, vector<32x512xf32>
    %dot_general3A = arith.constant dense<0.000000e+00> : vector<8x512xf32>
    %dot_general3A_17 = tpu.matmul %sign3A_13, %get3A_16, %dot_general3A {dimension_numbers = #tpu.dot_dimension_numbers<[1], [0], [0], [1], [0, 0, 1, 1], [], []>, transpose_lhs_hint = false} : vector<8x32xf32>, vector<32x512xf32>, vector<8x512xf32> -> vector<8x512xf32>
    %reduce_max3A = arith.constant dense<0xFF800000> : vector<512xf32>
    %reduce_max3A_18 = vector.multi_reduction <maximumf>, %dot_general3A_17, %reduce_max3A [0] : vector<8x512xf32> to vector<512xf32>
    %broadcast_in_dim3A = vector.shape_cast %reduce_max3A_18 : vector<512xf32> to vector<1x512xf32>
    %iota3A = tpu.iota {dimensions = array<i32: 0>} : vector<8x512xi32>
    %ge3A = vector.broadcast %broadcast_in_dim3A : vector<1x512xf32> to vector<8x512xf32>
    %ge3A_19 = arith.cmpf oge, %dot_general3A_17, %ge3A : vector<8x512xf32>
    %jit3A = arith.constant 8 : i32
    %broadcast_in_dim3A_20 = vector.broadcast %jit3A : i32 to vector<8x512xi32>
    %select_n3A = arith.select %ge3A_19, %iota3A, %broadcast_in_dim3A_20 : vector<8x512xi1>, vector<8x512xi32>
    %reduce_min3A = arith.constant dense<2147483647> : vector<512xi32>
    %reduce_min3A_21 = vector.multi_reduction <minsi>, %select_n3A, %reduce_min3A [0] : vector<8x512xi32> to vector<512xi32>
    %broadcast_in_dim3A_22 = vector.shape_cast %reduce_min3A_21 : vector<512xi32> to vector<1x512xi32>
    %eq3A = vector.broadcast %broadcast_in_dim3A_22 : vector<1x512xi32> to vector<8x512xi32>
    %eq3A_23 = arith.cmpi eq, %iota3A, %eq3A : vector<8x512xi32>
    %convert_element_type3A = arith.extui %eq3A_23 : vector<8x512xi1> to vector<8x512xi32>
    %convert_element_type3A_24 = arith.sitofp %convert_element_type3A : vector<8x512xi32> to vector<8x512xf32>
    %reduce_sum3A = arith.constant dense<0.000000e+00> : vector<8xf32>
    %reduce_sum3A_25 = vector.multi_reduction <add>, %convert_element_type3A_24, %reduce_sum3A [1] : vector<8x512xf32> to vector<8xf32>
    %broadcast_in_dim3A_26 = vector.shape_cast %reduce_sum3A_25 : vector<8xf32> to vector<8x1xf32>
    %add3A = arith.constant 3.100000e+01 : f32
    %add3A_27 = vector.broadcast %add3A : f32 to vector<8x1xf32>
    %add3A_28 = arith.addf %broadcast_in_dim3A_26, %add3A_27 : vector<8x1xf32>
    %mul3A = arith.constant 3.125000e-02 : f32
    %mul3A_29 = vector.broadcast %mul3A : f32 to vector<8x1xf32>
    %mul3A_30 = arith.mulf %add3A_28, %mul3A_29 : vector<8x1xf32>
    %floor3A = math.floor %mul3A_30 : vector<8x1xf32>
    %iota3A_31 = tpu.iota {dimensions = array<i32: 0>} : vector<8x8xi32>
    %iota3A_32 = tpu.iota {dimensions = array<i32: 1>} : vector<8x8xi32>
    %le3A = arith.cmpi sle, %iota3A_32, %iota3A_31 : vector<8x8xi32>
    %convert_element_type3A_33 = arith.extui %le3A : vector<8x8xi1> to vector<8x8xi32>
    %convert_element_type3A_34 = arith.sitofp %convert_element_type3A_33 : vector<8x8xi32> to vector<8x8xf32>
    %dot_general3A_35 = arith.constant dense<0.000000e+00> : vector<8x1xf32>
    %dot_general3A_36 = tpu.matmul %convert_element_type3A_34, %floor3A, %dot_general3A_35 {dimension_numbers = #tpu.dot_dimension_numbers<[1], [0], [0], [1], [0, 0, 1, 1], [], []>, transpose_lhs_hint = false} : vector<8x8xf32>, vector<8x1xf32>, vector<8x1xf32> -> vector<8x1xf32>
    %sub3A = arith.subf %dot_general3A_36, %floor3A : vector<8x1xf32>
    %mul3A_37 = arith.constant 3.200000e+01 : f32
    %mul3A_38 = vector.broadcast %mul3A_37 : f32 to vector<8x1xf32>
    %mul3A_39 = arith.mulf %sub3A, %mul3A_38 : vector<8x1xf32>
    %iota3A_40 = tpu.iota {dimensions = array<i32: 0>} : vector<512x512xi32>
    %iota3A_41 = tpu.iota {dimensions = array<i32: 1>} : vector<512x512xi32>
    %le3A_42 = arith.cmpi sle, %iota3A_40, %iota3A_41 : vector<512x512xi32>
    %convert_element_type3A_43 = arith.extui %le3A_42 : vector<512x512xi1> to vector<512x512xi32>
    %convert_element_type3A_44 = arith.sitofp %convert_element_type3A_43 : vector<512x512xi32> to vector<512x512xf32>
    %dot_general3A_45 = arith.constant dense<0.000000e+00> : vector<8x512xf32>
    %dot_general3A_46 = tpu.matmul %convert_element_type3A_24, %convert_element_type3A_44, %dot_general3A_45 {dimension_numbers = #tpu.dot_dimension_numbers<[1], [0], [0], [1], [0, 0, 1, 1], [], []>, transpose_lhs_hint = false} : vector<8x512xf32>, vector<512x512xf32>, vector<8x512xf32> -> vector<8x512xf32>
    %mul3A_47 = arith.mulf %convert_element_type3A_24, %dot_general3A_46 : vector<8x512xf32>
    %reduce_sum3A_48 = arith.constant dense<0.000000e+00> : vector<512xf32>
    %reduce_sum3A_49 = vector.multi_reduction <add>, %mul3A_47, %reduce_sum3A_48 [0] : vector<8x512xf32> to vector<512xf32>
    %broadcast_in_dim3A_50 = vector.shape_cast %reduce_sum3A_49 : vector<512xf32> to vector<1x512xf32>
    %sub3A_51 = arith.constant 1.000000e+00 : f32
    %sub3A_52 = vector.broadcast %sub3A_51 : f32 to vector<1x512xf32>
    %sub3A_53 = arith.subf %broadcast_in_dim3A_50, %sub3A_52 : vector<1x512xf32>
    %mul3A_54 = vector.broadcast %mul3A_39 : vector<8x1xf32> to vector<8x512xf32>
    %mul3A_55 = arith.mulf %convert_element_type3A_24, %mul3A_54 : vector<8x512xf32>
    %reduce_sum3A_56 = arith.constant dense<0.000000e+00> : vector<512xf32>
    %reduce_sum3A_57 = vector.multi_reduction <add>, %mul3A_55, %reduce_sum3A_56 [0] : vector<8x512xf32> to vector<512xf32>
    %broadcast_in_dim3A_58 = vector.shape_cast %reduce_sum3A_57 : vector<512xf32> to vector<1x512xf32>
    %add3A_59 = arith.addf %broadcast_in_dim3A_58, %sub3A_53 : vector<1x512xf32>
    %iota3A_60 = tpu.iota {dimensions = array<i32: 0>} : vector<768x512xi32>
    %convert_element_type3A_61 = arith.sitofp %iota3A_60 : vector<768x512xi32> to vector<768x512xf32>
    %eq3A_62 = vector.broadcast %add3A_59 : vector<1x512xf32> to vector<768x512xf32>
    %eq3A_63 = arith.cmpf oeq, %eq3A_62, %convert_element_type3A_61 : vector<768x512xf32>
    %convert_element_type3A_64 = arith.extui %eq3A_63 : vector<768x512xi1> to vector<768x512xi32>
    %convert_element_type3A_65 = arith.sitofp %convert_element_type3A_64 : vector<768x512xi32> to vector<768x512xf32>
    %iota3A_66 = tpu.iota {dimensions = array<i32: 0>} : vector<512x1xi32>
    %dot_general3A_67 = arith.constant dense<0.000000e+00> : vector<768x1xf32>
    %dot_general3A_68 = tpu.matmul %convert_element_type3A_65, %iota3A_66, %dot_general3A_67 {dimension_numbers = #tpu.dot_dimension_numbers<[1], [0], [0], [1], [0, 0, 1, 1], [], []>, transpose_lhs_hint = false} : vector<768x512xf32>, vector<512x1xi32>, vector<768x1xf32> -> vector<768x1xf32>
    %reduce_sum3A_69 = arith.constant dense<0.000000e+00> : vector<768xf32>
    %reduce_sum3A_70 = vector.multi_reduction <add>, %convert_element_type3A_65, %reduce_sum3A_69 [1] : vector<768x512xf32> to vector<768xf32>
    %broadcast_in_dim3A_71 = vector.shape_cast %reduce_sum3A_70 : vector<768xf32> to vector<768x1xf32>
    %iota3A_72 = tpu.iota {dimensions = array<i32: 0>} : vector<768x1xi32>
    %sub3A_73 = arith.constant 1.000000e+00 : f32
    %sub3A_74 = vector.broadcast %sub3A_73 : f32 to vector<768x1xf32>
    %sub3A_75 = arith.subf %sub3A_74, %broadcast_in_dim3A_71 : vector<768x1xf32>
    %jit3A_76 = arith.constant 512 : i32
    %eq3A_77 = arith.constant 0 : i32
    %eq3A_78 = arith.cmpi eq, %jit3A_76, %eq3A_77 : i32
    %jit3A_79 = arith.constant 1 : i32
    %select_n3A_80 = arith.select %eq3A_78, %jit3A_79, %jit3A_76 : i32
    %rem3A = vector.broadcast %select_n3A_80 : i32 to vector<768x1xi32>
    %rem3A_81 = arith.remsi %iota3A_72, %rem3A : vector<768x1xi32>
    %ne3A = arith.constant 0 : i32
    %ne3A_82 = vector.broadcast %ne3A : i32 to vector<768x1xi32>
    %ne3A_83 = arith.cmpi ne, %rem3A_81, %ne3A_82 : vector<768x1xi32>
    %lt3A = arith.constant 0 : i32
    %lt3A_84 = vector.broadcast %lt3A : i32 to vector<768x1xi32>
    %lt3A_85 = arith.cmpi slt, %rem3A_81, %lt3A_84 : vector<768x1xi32>
    %lt3A_86 = arith.constant 0 : i32
    %lt3A_87 = arith.cmpi slt, %select_n3A_80, %lt3A_86 : i32
    %ne3A_88 = vector.broadcast %lt3A_87 : i1 to vector<768x1xi1>
    %ne3A_89 = vector.broadcast %ne3A_88 : vector<768x1xi1> to vector<768x1xi1>
    %ne3A_90 = arith.xori %lt3A_85, %ne3A_89 : vector<768x1xi1>
    %and3A = arith.andi %ne3A_90, %ne3A_83 : vector<768x1xi1>
    %add3A_91 = vector.broadcast %select_n3A_80 : i32 to vector<768x1xi32>
    %add3A_92 = arith.addi %rem3A_81, %add3A_91 : vector<768x1xi32>
    %select_n3A_93 = arith.select %and3A, %add3A_92, %rem3A_81 : vector<768x1xi1>, vector<768x1xi32>
    %convert_element_type3A_94 = arith.sitofp %select_n3A_93 : vector<768x1xi32> to vector<768x1xf32>
    %mul3A_95 = arith.mulf %sub3A_75, %convert_element_type3A_94 : vector<768x1xf32>
    %add3A_96 = arith.addf %dot_general3A_68, %mul3A_95 : vector<768x1xf32>
    %iota3A_97 = tpu.iota {dimensions = array<i32: 1>} : vector<768x4xi32>
    %convert_element_type3A_98 = arith.sitofp %iota3A_97 : vector<768x4xi32> to vector<768x4xf32>
    %mul3A_99 = arith.constant 5.120000e+02 : f32
    %mul3A_100 = vector.broadcast %mul3A_99 : f32 to vector<768x4xf32>
    %mul3A_101 = arith.mulf %mul3A_100, %convert_element_type3A_98 : vector<768x4xf32>
    %add3A_102 = vector.broadcast %add3A_96 : vector<768x1xf32> to vector<768x4xf32>
    %add3A_103 = arith.addf %add3A_102, %mul3A_101 : vector<768x4xf32>
    %convert_element_type3A_104 = arith.fptosi %add3A_103 : vector<768x4xf32> to vector<768x4xi32>
    %swap3A = arith.constant 0 : index
    %swap3A_105 = arith.constant 0 : index
    %swap3A_106 = vector.load %arg2[%swap3A, %swap3A_105] : memref<768x4xi32, #tpu.memory_space<vmem>>, vector<768x4xi32>
    tpu.vector_store %arg2[%swap3A, %swap3A_105], %convert_element_type3A_104 {strides = array<i32>} : memref<768x4xi32, #tpu.memory_space<vmem>>, vector<768x4xi32>,
    %iota3A_107 = tpu.iota {dimensions = array<i32: 0>} : vector<4x512xi32>
    %mul3A_108 = arith.constant 4.000000e+00 : f32
    %mul3A_109 = vector.broadcast %mul3A_108 : f32 to vector<1x512xf32>
    %mul3A_110 = arith.mulf %add3A_59, %mul3A_109 : vector<1x512xf32>
    %convert_element_type3A_111 = arith.sitofp %iota3A_107 : vector<4x512xi32> to vector<4x512xf32>
    %add3A_112 = vector.broadcast %mul3A_110 : vector<1x512xf32> to vector<4x512xf32>
    %add3A_113 = arith.addf %add3A_112, %convert_element_type3A_111 : vector<4x512xf32>
    %convert_element_type3A_114 = arith.fptosi %add3A_113 : vector<4x512xf32> to vector<4x512xi32>
    %swap3A_115 = arith.constant 0 : index
    %swap3A_116 = arith.constant 0 : index
    %swap3A_117 = vector.load %arg3[%swap3A_115, %swap3A_116] : memref<4x512xi32, #tpu.memory_space<vmem>>, vector<4x512xi32>
    tpu.vector_store %arg3[%swap3A_115, %swap3A_116], %convert_element_type3A_114 {strides = array<i32>} : memref<4x512xi32, #tpu.memory_space<vmem>>, vector<4x512xi32>,
    %iota3A_118 = tpu.iota {dimensions = array<i32: 1>} : vector<8x24xi32>
    %convert_element_type3A_119 = arith.sitofp %iota3A_118 : vector<8x24xi32> to vector<8x24xf32>
    %ge3A_120 = vector.broadcast %dot_general3A_36 : vector<8x1xf32> to vector<8x24xf32>
    %ge3A_121 = arith.cmpf oge, %convert_element_type3A_119, %ge3A_120 : vector<8x24xf32>
    %convert_element_type3A_122 = arith.extui %ge3A_121 : vector<8x24xi1> to vector<8x24xi32>
    %convert_element_type3A_123 = arith.sitofp %convert_element_type3A_122 : vector<8x24xi32> to vector<8x24xf32>
    %reduce_sum3A_124 = arith.constant dense<0.000000e+00> : vector<24xf32>
    %reduce_sum3A_125 = vector.multi_reduction <add>, %convert_element_type3A_123, %reduce_sum3A_124 [0] : vector<8x24xf32> to vector<24xf32>
    %broadcast_in_dim3A_126 = vector.shape_cast %reduce_sum3A_125 : vector<24xf32> to vector<1x24xf32>
    %min3A = arith.constant 7.000000e+00 : f32
    %min3A_127 = vector.broadcast %min3A : f32 to vector<1x24xf32>
    %min3A_128 = arith.minimumf %broadcast_in_dim3A_126, %min3A_127 : vector<1x24xf32>
    %convert_element_type3A_129 = arith.fptosi %min3A_128 : vector<1x24xf32> to vector<1x24xi32>
    %swap3A_130 = arith.constant 0 : index
    %swap3A_131 = arith.constant 0 : index
    %swap3A_132 = vector.load %arg4[%swap3A_130, %swap3A_131] : memref<1x24xi32, #tpu.memory_space<vmem>>, vector<1x24xi32>
    tpu.vector_store %arg4[%swap3A_130, %swap3A_131], %convert_element_type3A_129 {strides = array<i32>} : memref<1x24xi32, #tpu.memory_space<vmem>>, vector<1x24xi32>,
    return
  }
}

</mosaic_0001>

<sc_bundles>
// kernel: kernel.6.cloned.1.call-start
scs
__scs_entry_jumppad:
0x0: {  	(pc) =	sbr.rel $0x88, $3  }
0x1: {  	(tag) =	ssettag $0x0;
	lr =	simm.s32 $0x1  }
0x2: {  	[smem:$0x3F9D] =	sst lr;
	_ =	strace $0xD0000000  }
0x3: {  	_ = 	snop  }
0x4: {  	_ = 	snop  }
0x5: {  	_ = 	snop  }
0x6: {  	_ = 	snop  }
0x7: {  	_ = 	snop  }
__scs_overlays_trampoline_lowered:
0x8: {  	[smem:$0x3FAC] =	sst s0  }
0x9: {  	[smem:$0x3FAD] =	sst s1  }
0xa: {  	[smem:$0x3FAE] =	sst s2  }
0xb: {  	[smem:$0x3FAF] =	sst s3  }
0xc: {  	[smem:$0x3FB0] =	sst s4  }
0xd: {  	[smem:$0x3FB1] =	sst s5  }
0xe: {  	[smem:$0x3FB2] =	sst s6  }
0xf: {  	[smem:$0x3FB3] =	sst s7  }
0x10: {  	[smem:$0x3FB4] =	sst s8  }
0x11: {  	[smem:$0x3FB5] =	sst s9;
	s0 =	simm.s32 @!p0 $0x0  }
0x12: {  	s1 =	sld [smem:$0x3F9B];
	s0 =	simm.s32 @p0 $0x1  }
0x13: {  	[smem:$0x3FB6] =	sst s0;
	s0 =	simm.s32 @!p1 $0x0  }
0x14: {  	s2 =	sld [smem:$0x3F9A];
	s0 =	simm.s32 @p1 $0x1  }
0x15: {  	[smem:$0x3FB7] =	sst s0;
	s0 =	simm.s32 @!p2 $0x0  }
0x16: {  	s3 =	sld [smem:$0x3FDB];
	s0 =	simm.s32 @p2 $0x1  }
0x17: {  	s4 =	simm.s32 $0x1BF5;
	[smem:$0x3FB9] =	sst s0  }
0x18: {  	s0 =	sld [smem:$0x3F9C];
	_ =	swait.ge [sflag:s4], $0x0  }
0x19: {  	s7 =	sld [smem:$0x3F9D]  }
0x1a: {  	s8 =	sadd.s32 $0xFFFFE003, lr  }
0x1b: {  	s9 =	sadd.s32 $0xFFFFFEF7, lr;
	s5 =	simm.s32 $0xFFFFFFFF;
	p2 =	slt.u32 s8, $0xFFFFF086  }
0x1c: {  	p1 =	slt.u32 s9, $0xF7A;
	s5 =	simm.s32 @!p2 $0x0  }
0x1d: {  	s5 =	simm.s32 @p1 $0x1;
	p0 =	seq.s32 s7, s2  }
0x1e: {  	s7 =	smul.u32 @!p0 $0xF7A, s2;
	p2 =	seq.s32 @!p0 s5, $0x0  }
0x1f: {  	s9 =	smul.u32 $0xF7A, s1;
	s8 =	simm.s32 @!p0 $0x1BF5;
	p2 =	por !p2, p0  }
0x20: {  	[sflag:s8] =	ssyncset.s32 @!p0 $0xFFFFF086;
	s6 =	sadd.s32 @!p0 s3, s7;
	s7 =	simm.s32 @!p0 $0x108  }
0x21: {  	s3 =	sadd.s32 s3, s9;
	s6 =	sadd.s32 @!p0 $0x88, s6;
	s7 =	simm.s32 @p2 $0x1082  }
0x22: {  	[simem:s7], [sflag:s8] =	dma.local @!p0 [hbm:s6], $0xF7A  }
0x23: {  	s9 =	sor.u32 $0xD0000000, s2;
	s6 =	simm.s32 $0x108;
	_ =	swait.ge @!p0 [sflag:s8], $0x0  }
0x24: {  	s3 =	sadd.s32 $0x88, s3;
	s6 =	simm.s32 @!p1 $0x1082;
	[sflag:s4] =	ssyncset.s32 $0xFFFFF086  }
0x25: {  	[simem:s6], [sflag:s4] =	dma.local [hbm:s3], $0xF7A  }
0x26: {  	[smem:$0x3F9D] =	sst s1;
	(tag) =	ssettag s2;
	_ =	strace s9  }
0x27: {  	s1 =	sld [smem:$0x3FAD]  }
0x28: {  	s2 =	sld [smem:$0x3FAE]  }
0x29: {  	s4 =	sld [smem:$0x3FB0]  }
0x2a: {  	p0 =	seq.s32 s5, $0x0;
	s5 =	sld [smem:$0x3FB1]  }
0x2b: {  	s6 =	sld [smem:$0x3FB2]  }
0x2c: {  	s7 =	sld [smem:$0x3FB3]  }
0x2d: {  	s3 =	simm.s32 $0x108;
	s8 =	sld [smem:$0x3FB4]  }
0x2e: {  	s3 =	simm.s32 @!p0 $0x1082;
	s9 =	sld [smem:$0x3FB5]  }
0x2f: {  	lr =	sadd.s32 s0, s3;
	s0 =	sld [smem:$0x3FAC]  }
0x30: {  	s3 =	sld [smem:$0x3FAF]  }
0x31: {  	[smem:$0x3FB8] =	sst s10  }
0x32: {  	s10 =	sld [smem:$0x3FB6];
	_ =	sdelay $0x3  }
0x33: {  	p0 =	seq.s32 s10, $0x1;
	s10 =	sld [smem:$0x3FB8];
	_ =	sdelay $0x3  }
0x34: {  	[smem:$0x3FB8] =	sst s10  }
0x35: {  	s10 =	sld [smem:$0x3FB7];
	_ =	sdelay $0x3  }
0x36: {  	p1 =	seq.s32 s10, $0x1;
	s10 =	sld [smem:$0x3FB8];
	_ =	sdelay $0x3  }
0x37: {  	[smem:$0x3FB8] =	sst s10  }
0x38: {  	s10 =	sld [smem:$0x3FB9]  }
0x39: {  	_ = 	snop;
	(pc) =	sbr.ind lr, $3  }
0x3a: {  	_ = 	snop  }
0x3b: {  	_ = 	snop  }
0x3c: {  	p2 =	seq.s32 s10, $0x1;
	s10 =	sld [smem:$0x3FB8]  }
0x3d: {  	_ =	shalt  }
0x3e: {  	_ =	shalt  }
0x3f: {  	_ =	shalt  }
0x40: {  	_ =	shalt  }
0x41: {  	_ =	shalt  }
0x42: {  	_ =	shalt  }
0x43: {  	_ =	shalt  }
0x44: {  	_ =	shalt  }
0x45: {  	_ =	shalt  }
0x46: {  	_ =	shalt  }
0x47: {  	_ =	shalt  }
0x48: {  	_ =	shalt  }
0x49: {  	_ =	shalt  }
0x4a: {  	_ =	shalt  }
0x4b: {  	_ =	shalt  }
0x4c: {  	_ =	shalt  }
0x4d: {  	_ =	shalt  }
0x4e: {  	_ =	shalt  }
0x4f: {  	_ =	shalt  }
0x50: {  	_ =	shalt  }
0x51: {  	_ =	shalt  }
0x52: {  	_ =	shalt  }
0x53: {  	_ =	shalt  }
0x54: {  	_ =	shalt  }
0x55: {  	_ =	shalt  }
0x56: {  	_ =	shalt  }
0x57: {  	_ =	shalt  }
0x58: {  	_ =	shalt  }
0x59: {  	_ =	shalt  }
0x5a: {  	_ =	shalt  }
0x5b: {  	_ =	shalt  }
0x5c: {  	_ =	shalt  }
0x5d: {  	_ =	shalt  }
0x5e: {  	_ =	shalt  }
0x5f: {  	_ =	shalt  }
0x60: {  	_ =	shalt  }
0x61: {  	_ =	shalt  }
0x62: {  	_ =	shalt  }
0x63: {  	_ =	shalt  }
0x64: {  	_ =	shalt  }
0x65: {  	_ =	shalt  }
0x66: {  	_ =	shalt  }
0x67: {  	_ =	shalt  }
0x68: {  	_ =	shalt  }
0x69: {  	_ =	shalt  }
0x6a: {  	_ =	shalt  }
0x6b: {  	_ =	shalt  }
0x6c: {  	_ =	shalt  }
0x6d: {  	_ =	shalt  }
0x6e: {  	_ =	shalt  }
0x6f: {  	_ =	shalt  }
0x70: {  	_ =	shalt  }
0x71: {  	_ =	shalt  }
0x72: {  	_ =	shalt  }
0x73: {  	_ =	shalt  }
0x74: {  	_ =	shalt  }
0x75: {  	_ =	shalt  }
0x76: {  	_ =	shalt  }
0x77: {  	_ =	shalt  }
0x78: {  	_ =	shalt  }
0x79: {  	_ =	shalt  }
0x7a: {  	_ =	shalt  }
0x7b: {  	_ =	shalt  }
0x7c: {  	_ =	shalt  }
0x7d: {  	_ =	shalt  }
0x7e: {  	_ =	shalt  }
0x7f: {  	_ =	shalt  }
0x80: {  	_ =	shalt  }
0x81: {  	_ =	shalt  }
0x82: {  	_ =	shalt  }
0x83: {  	_ =	shalt  }
0x84: {  	_ =	shalt  }
0x85: {  	_ =	shalt  }
0x86: {  	_ =	shalt  }
0x87: {  	_ =	shalt  }
.Lfunc_end0:
.L_simem_size_0:
called_computation_lowered:
.L_overlay_start_0:
0x88: {  	s2 =	sld [smem:$0x3FD9]  }
0x89: {  	s3 =	sld [smem:$0x3FFE];
	_ =	sdelay $0x1  }
0x8a: {  	s1 =	srdreg.scid  }
0x8b: {  	s0 =	sand.u32 $0x1, s1  }
0x8c: {  	s17 =	sshll.u32 s0, $0xA;
	s2 =	sadd.s32 s3, s2  }
0x8d: {  	s2 =	sadd.s32 s2, s17  }
0x8e: {  	[smem:$0x3FC4] =	sst s2  }
0x8f: {  	_ = 	snop  }
0x90: {  	s2 =	sld [smem:$0x3FC9]  }
0x91: {  	s18 =	sld [smem:$0x3FD0];
	(tm) =	ssettm $0x1  }
0x92: {  	s4 =	sld [smem:$0x3FFB];
	_ =	sdelay $0x3  }
0x93: {  	_ =	strace s4  }
0x94: {  	s4 =	sld [smem:$0x3FFC];
	_ =	sdelay $0x3  }
0x95: {  	_ =	strace s4  }
0x96: {  	s4 =	sld [smem:$0x3FFD];
	_ =	sdelay $0x3  }
0x97: {  	_ =	strace s4  }
0x98: {  	_ =	strace $0x8FFFFFFF  }
0x99: {  	s19 =	sld [smem:$0x3FDB];
	_ =	sdelay $0x1  }
0x9a: {  	s5 =	simm.s32 $_scs_section_size  }
0x9b: {  	s6 =	simm.s32 $_size__tile_overlayer_lowered;
	s7 =	simm.s32 $_tile_overlayer_lowered  }
0x9c: {  	s22 =	simm.s32 $0x1BFF;
	s21 =	sshll.u32 s7, $0x1;
	s4 =	sadd.s32 s5, s19  }
0x9d: {  	s8 =	simm.s32 $0x0;
	s20 =	sshll.u32 s6, $0x1;
	s6 =	sadd.s32 s21, s4  }
0x9e: {  	[timem:s8], [sflag:s22] =	dma.local [hbm:s6], s20  }
0x9f: {  	_ =	swait.ge [sflag:s22], s20  }
0xa0: {  	s5 =	ssub.s32 $0x0, s20;
	[sflag:s22] =	ssyncset.done $0x0  }
0xa1: {  	[sflag:s22] =	ssyncadd.s32 s5;
	_ =	sdelay $0x1  }
0xa2: {  	s23 =	simm.s32 $0x1B8B  }
0xa3: {  	_ =	swait.ge [sflag:s23], $0x1  }
0xa4: {  	[sflag:s23] =	ssyncset.done $0x0  }
0xa5: {  	s25 =	simm.s32 $0x1B8E;
	s24 =	sld [smem:$0x3FFE];
	[sflag:s23] =	ssyncadd.s32 $0xFFFFFFFF  }
0xa6: {  	s26 =	simm.s32 $execute0_lowered;
	[smem:$0x3FD2] =	sst s25  }
0xa7: {  	s6 =	sshll.u32 s26, $0x1;
	_ =	strace $0x80000046;
	[dreg:$0x1] =	wrdreg $0xFFFFFFFF  }
0xa8: {  	s28 =	simm.s32 $_size_execute0_lowered;
	s4 =	sadd.s32 s4, s6;
	[dreg:$0x0] =	wrdreg $0x0  }
0xa9: {  	s6 =	sshll.u32 s28, $0x1;
	[dreg:$0x2] =	wrdreg s4  }
0xaa: {  	[dreg:$0x3] =	wrdreg s6  }
0xab: {  	[dreg:$0x4] =	wrdreg $0xC0  }
0xac: {  	_ =	task [dreg:s8], $0x5FFFF  }
0xad: {  	[dreg:$0x1] =	wrdreg $0xFFFFFFFF  }
0xae: {  	[dreg:$0x0] =	wrdreg $0x60  }
0xaf: {  	[dreg:$0x2] =	wrdreg s2  }
0xb0: {  	[dreg:$0x3] =	wrdreg s18  }
0xb1: {  	[dreg:$0x4] =	wrdreg s24  }
0xb2: {  	[dreg:$0x5] =	wrdreg $0x9  }
0xb3: {  	_ =	task.clear_ibuf [dreg:s8], $0x6FFFF;
	_ =	strace $0x90000046  }
0xb4: {  	s29 =	simm.s32 $0x9;
	_ =	strace $0x80000048  }
0xb5: {  	_ =	swait.ge [sflag:s29], $0x1  }
0xb6: {  	[sflag:s29] =	ssyncadd.s32 $0xFFFFFFFF  }
0xb7: {  	_ =	strace $0x90000048  }
0xb8: {  	_ =	sfence  }
0xb9: {  	s30 =	sld [smem:$0x0];
	_ =	sdelay $0x2  }
0xba: {  	s31 =	sshll.u32 s1, $0xD;
	s1 =	sshrl.u32 s1, $0x2  }
0xbb: {  	s3 =	sand.u32 $0x4000, s31;
	s1 =	sadd.s32 s1, s30  }
0xbc: {  	s0 =	sor.u32 s3, s0;
	s1 =	sshll.u32 s1, $0x11  }
0xbd: {  	s0 =	sor.u32 s1, s0  }
0xbe: {  	s0 =	sadd.s32 $0x8F2B, s0  }
0xbf: {  	[sflag:s0] =	ssyncadd.remote.s32 $0x1  }
0xc0: {  	_ =	sfence.sel $0xFFFF  }
0xc1: {  	[dreg:$0x0] =	wrdreg $0xFFFFFFFF;
	(pc) =	sbr.abs _section_cstart, $3  }
0xc2: {  	[dreg:$0x1] =	wrdreg $0xFFFFFFFF  }
0xc3: {  	_ =	task.clear_ibuf [dreg:s8], $0x2FFFF;
	_ =	strace $0x9FFFFFFF  }
0xc4: {  	(tm) =	ssettm $0x7FFFFFFF  }
0xc5: {  	_ =	shalt  }
tec
execute0_lowered:
.L_overlay_start_1:
0x0: {  	(tag) =	ssettag $0x1  }
0x1: {  	s2 =	srdreg.scid  }
0x2: {  	s0 =	stileid.u32;
	s1 =	rddreg [dreg:$0x0]  }
0x3: {  	s4 =	rddreg [dreg:$0x1];
	s2 =	sand.u32 $0x1, s2;
	s3 =	sshll.u32 s0, $0x1  }
0x4: {  	s6 =	rddreg [dreg:$0x2];
	s5 =	sor.u32 s2, s3;
	s3 =	simm.s32 $0x0  }
0x5: {  	s24 =	simm.s32 $0x880;
	[smem:$0x7FF] =	sst s3  }
0x6: {  	s25 =	simm.s32 $0x1080;
	_ =	strace $0x80000047;
	[dreg:$0x6] =	wrdreg s24  }
0x7: {  	s26 =	simm.s32 $0x1880;
	[dreg:$0x7] =	wrdreg s25  }
0x8: {  	s0 =	simm.s32 $0x2080;
	[dreg:$0x8] =	wrdreg s26  }
0x9: {  	s8 =	simm.s32 $0x4080;
	[dreg:$0x9] =	wrdreg s0  }
0xa: {  	s9 =	simm.s32 $0x4880;
	[dreg:$0xd] =	wrdreg s8  }
0xb: {  	s10 =	simm.s32 $0x5080;
	[dreg:$0xe] =	wrdreg s9  }
0xc: {  	s11 =	simm.s32 $0x5880;
	[dreg:$0xf] =	wrdreg s10  }
0xd: {  	s12 =	simm.s32 $0x6080;
	[dreg:$0x10] =	wrdreg s11  }
0xe: {  	s13 =	simm.s32 $0x6880;
	s14 =	simm.s32 $0x7080;
	[dreg:$0x11] =	wrdreg s12  }
0xf: {  	s15 =	simm.s32 $0x7880;
	s16 =	simm.s32 $0x8080;
	[dreg:$0x12] =	wrdreg s13  }
0x10: {  	s17 =	simm.s32 $0x8880;
	s18 =	simm.s32 $0x9080;
	[dreg:$0x13] =	wrdreg s14  }
0x11: {  	s19 =	simm.s32 $0x9880;
	s21 =	simm.s32 $0xA080;
	[dreg:$0x14] =	wrdreg s15  }
0x12: {  	s22 =	simm.s32 $0xA880;
	s28 =	simm.s32 $0x16080;
	[dreg:$0x15] =	wrdreg s16  }
0x13: {  	s29 =	simm.s32 $0x16880;
	s30 =	simm.s32 $0x17080;
	[dreg:$0x16] =	wrdreg s17  }
0x14: {  	s31 =	simm.s32 $0x17880;
	s2 =	ssub.s32 $0x2, s2;
	[dreg:$0x17] =	wrdreg s18  }
0x15: {  	s7 =	smul.u32 $0x3000, s5;
	s20 =	sshrl.u32 s2, $0x1;
	[dreg:$0x18] =	wrdreg s19  }
0x16: {  	s5 =	smul.u32 $0xC, s5;
	s2 =	ssub.s32 s2, s20;
	[dreg:$0x19] =	wrdreg s21  }
0x17: {  	[dreg:$0x1a] =	wrdreg s22;
	s24 =	simm.s32 $0xB880;
	s8 =	simm.s32 $0xC080  }
0x18: {  	s25 =	simm.s32 $0xC880;
	s26 =	simm.s32 $0xD080;
	s9 =	simm.s32 $0x80  }
0x19: {  	s11 =	simm.s32 $0xE080;
	s12 =	simm.s32 $0xE880;
	s13 =	simm.s32 $0xF080  }
0x1a: {  	s14 =	simm.s32 $0xF880;
	s15 =	simm.s32 $0x10080;
	s16 =	simm.s32 $0x10880  }
0x1b: {  	s17 =	simm.s32 $0x11080;
	s18 =	simm.s32 $0x11880;
	s19 =	simm.s32 $0x12080  }
0x1c: {  	s20 =	simm.s32 $0x12880;
	s21 =	simm.s32 $0x13080;
	[dreg:$0x1c] =	wrdreg s24  }
0x1d: {  	s22 =	simm.s32 $0x13880;
	s6 =	sadd.s32 s7, s6;
	[dreg:$0x1d] =	wrdreg s8  }
0x1e: {  	s4 =	sadd.s32 s4, s5;
	s5 =	simm.s32 $0x2880;
	[dreg:$0x1e] =	wrdreg s25  }
0x1f: {  	s7 =	simm.s32 $0x3880;
	s8 =	simm.s32 $0x2;
	[dreg:$0x1f] =	wrdreg s26  }
0x20: {  	s24 =	simm.s32 $0x14880;
	s25 =	simm.s32 $0x15080;
	[dreg:$0x4] =	wrdreg s4  }
0x21: {  	s26 =	simm.s32 $0x15880;
	s23 =	sadd.s32 $0x1600, s6;
	[dreg:$0xa] =	wrdreg s5  }
0x22: {  	s6 =	simm.s32 $0x3080;
	[dreg:$0xc] =	wrdreg s7;
	s4 =	sadd.s32 $0x100, s1  }
0x23: {  	v2 =	vlaneseq.u32;
	s5 =	sadd.s32 $0x200, s1;
	s7 =	smax.u32 s2, $0x1;
	[dreg:$0x5] =	wrdreg s23  }
0x24: {  	vm0 =	vmmov $0xffff;
	v1 =	vshrl.u32 v2, $0x3;
	s2 =	simm.s32 $0x1;
	[dreg:$0xb] =	wrdreg s6;
	s23 =	simm.s32 $0xB080  }
0x25: {  	v0 =	vand.u32 $0x7, v2;
	v2 =	vor.u32 $0x8, v2;
	v1 =	vmul.u32 $0x8, v1;
	s6 =	sadd.s32 $0x300, s1;
	[dreg:$0x1b] =	wrdreg s23;
	s23 =	simm.s32 $0x14080  }
.LBB2_1:
0x26: {  	s0 =	rddreg [dreg:$0x4]  }
0x27: {  	[tilespmem:s3], [sflag:$0x2] =	stream.linear.gather [hbm4b:s0+s3], $0x60, $0x38;
	[tilespmem:$0x18080] =	vst v63  }
0x28: {  	_ =	swait.ge [sflag:s8], $0x60  }
0x29: {  	[sflag:s8] =	ssyncset.done $0x0  }
0x2a: {  	[sflag:s8] =	ssyncadd.s32 $0xFFFFFFA0  }
0x2b: {  	v3 =	vld [tilespmem:$0x0];
	_ =	sdelay $0x4  }
0x2c: {  	v4 =	vshll.u32 v3, $0x3  }
0x2d: {  	v3 =	vand.u32 $0x7, v3;
	v4 =	vand.u32 $0xFFFFFFC0, v4  }
0x2e: {  	v3 =	vor.u32 v3, v4  }
0x2f: {  	v4 =	vperm.xlane v3, v0;
	_ =	sdelay $0x1  }
0x30: {  	v4 =	vadd.s32 v1, v4;
	_ =	sdelay $0x4  }
0x31: {  	[tilespmem:s9], [sflag:$0x1] =	stream.indirect_vreg.gather [hbm4b:s1+s3], $0x80, v4, vm0, $0xb8;
	[tilespmem:$0x18080] =	vst v63  }
0x32: {  	s0 =	rddreg [dreg:$0x6];
	v3 =	vperm.xlane v3, v2  }
0x33: {  	[tilespmem:s0], [sflag:$0x1] =	stream.indirect_vreg.gather [hbm4b:s4+s3], $0x80, v4, vm0, $0xb8;
	[tilespmem:$0x18080] =	vst v63  }
0x34: {  	s10 =	rddreg [dreg:$0x7];
	v3 =	vadd.s32 v1, v3  }
0x35: {  	[tilespmem:s10], [sflag:$0x1] =	stream.indirect_vreg.gather [hbm4b:s5+s3], $0x80, v4, vm0, $0xb8;
	[tilespmem:$0x18080] =	vst v63  }
0x36: {  	s0 =	rddreg [dreg:$0x8]  }
0x37: {  	[tilespmem:s0], [sflag:$0x1] =	stream.indirect_vreg.gather [hbm4b:s6+s3], $0x80, v4, vm0, $0xb8;
	[tilespmem:$0x18080] =	vst v63  }
0x38: {  	s10 =	rddreg [dreg:$0x9]  }
0x39: {  	[tilespmem:s10], [sflag:$0x1] =	stream.indirect_vreg.gather [hbm4b:s1+s3], $0x80, v3, vm0, $0xb8;
	[tilespmem:$0x18080] =	vst v63  }
0x3a: {  	s0 =	rddreg [dreg:$0xa]  }
0x3b: {  	[tilespmem:s0], [sflag:$0x1] =	stream.indirect_vreg.gather [hbm4b:s4+s3], $0x80, v3, vm0, $0xb8;
	[tilespmem:$0x18080] =	vst v63  }
0x3c: {  	s10 =	rddreg [dreg:$0xb]  }
0x3d: {  	[tilespmem:s10], [sflag:$0x1] =	stream.indirect_vreg.gather [hbm4b:s5+s3], $0x80, v3, vm0, $0xb8;
	[tilespmem:$0x18080] =	vst v63  }
0x3e: {  	s0 =	rddreg [dreg:$0xc]  }
0x3f: {  	[tilespmem:s0], [sflag:$0x1] =	stream.indirect_vreg.gather [hbm4b:s6+s3], $0x80, v3, vm0, $0xb8;
	[tilespmem:$0x18080] =	vst v63  }
0x40: {  	v3 =	vld [tilespmem:$0x10];
	_ =	sdelay $0x4  }
0x41: {  	v59 =	vshll.u32 v3, $0x3  }
0x42: {  	v3 =	vand.u32 $0x7, v3;
	v4 =	vand.u32 $0xFFFFFFC0, v59  }
0x43: {  	v3 =	vor.u32 v3, v4  }
0x44: {  	v4 =	vperm.xlane v3, v0;
	_ =	sdelay $0x1  }
0x45: {  	v4 =	vadd.s32 v1, v4;
	_ =	sdelay $0x3  }
0x46: {  	s0 =	rddreg [dreg:$0xd]  }
0x47: {  	[tilespmem:s0], [sflag:$0x1] =	stream.indirect_vreg.gather [hbm4b:s1+s3], $0x80, v4, vm0, $0xb8;
	[tilespmem:$0x18080] =	vst v63  }
0x48: {  	s10 =	rddreg [dreg:$0xe];
	v3 =	vperm.xlane v3, v2  }
0x49: {  	[tilespmem:s10], [sflag:$0x1] =	stream.indirect_vreg.gather [hbm4b:s4+s3], $0x80, v4, vm0, $0xb8;
	[tilespmem:$0x18080] =	vst v63  }
0x4a: {  	v3 =	vadd.s32 v1, v3;
	s0 =	rddreg [dreg:$0xf]  }
0x4b: {  	[tilespmem:s0], [sflag:$0x1] =	stream.indirect_vreg.gather [hbm4b:s5+s3], $0x80, v4, vm0, $0xb8;
	[tilespmem:$0x18080] =	vst v63  }
0x4c: {  	s10 =	rddreg [dreg:$0x10]  }
0x4d: {  	[tilespmem:s10], [sflag:$0x1] =	stream.indirect_vreg.gather [hbm4b:s6+s3], $0x80, v4, vm0, $0xb8;
	[tilespmem:$0x18080] =	vst v63  }
0x4e: {  	s0 =	rddreg [dreg:$0x11]  }
0x4f: {  	[tilespmem:s0], [sflag:$0x1] =	stream.indirect_vreg.gather [hbm4b:s1+s3], $0x80, v3, vm0, $0xb8;
	[tilespmem:$0x18080] =	vst v63  }
0x50: {  	s10 =	rddreg [dreg:$0x12]  }
0x51: {  	[tilespmem:s10], [sflag:$0x1] =	stream.indirect_vreg.gather [hbm4b:s4+s3], $0x80, v3, vm0, $0xb8;
	[tilespmem:$0x18080] =	vst v63  }
0x52: {  	s0 =	rddreg [dreg:$0x13]  }
0x53: {  	[tilespmem:s0], [sflag:$0x1] =	stream.indirect_vreg.gather [hbm4b:s5+s3], $0x80, v3, vm0, $0xb8;
	[tilespmem:$0x18080] =	vst v63  }
0x54: {  	s10 =	rddreg [dreg:$0x14]  }
0x55: {  	[tilespmem:s10], [sflag:$0x1] =	stream.indirect_vreg.gather [hbm4b:s6+s3], $0x80, v3, vm0, $0xb8;
	[tilespmem:$0x18080] =	vst v63  }
0x56: {  	v3 =	vld [tilespmem:$0x20];
	_ =	sdelay $0x4  }
0x57: {  	v60 =	vshll.u32 v3, $0x3  }
0x58: {  	v3 =	vand.u32 $0x7, v3;
	v4 =	vand.u32 $0xFFFFFFC0, v60  }
0x59: {  	v3 =	vor.u32 v3, v4  }
0x5a: {  	v4 =	vperm.xlane v3, v0;
	_ =	sdelay $0x1  }
0x5b: {  	v4 =	vadd.s32 v1, v4;
	_ =	sdelay $0x3  }
0x5c: {  	s0 =	rddreg [dreg:$0x15]  }
0x5d: {  	[tilespmem:s0], [sflag:$0x1] =	stream.indirect_vreg.gather [hbm4b:s1+s3], $0x80, v4, vm0, $0xb8;
	[tilespmem:$0x18080] =	vst v63  }
0x5e: {  	s10 =	rddreg [dreg:$0x16];
	v3 =	vperm.xlane v3, v2  }
0x5f: {  	[tilespmem:s10], [sflag:$0x1] =	stream.indirect_vreg.gather [hbm4b:s4+s3], $0x80, v4, vm0, $0xb8;
	[tilespmem:$0x18080] =	vst v63  }
0x60: {  	v3 =	vadd.s32 v1, v3;
	s0 =	rddreg [dreg:$0x17]  }
0x61: {  	[tilespmem:s0], [sflag:$0x1] =	stream.indirect_vreg.gather [hbm4b:s5+s3], $0x80, v4, vm0, $0xb8;
	[tilespmem:$0x18080] =	vst v63  }
0x62: {  	s10 =	rddreg [dreg:$0x18]  }
0x63: {  	[tilespmem:s10], [sflag:$0x1] =	stream.indirect_vreg.gather [hbm4b:s6+s3], $0x80, v4, vm0, $0xb8;
	[tilespmem:$0x18080] =	vst v63  }
0x64: {  	s0 =	rddreg [dreg:$0x19]  }
0x65: {  	[tilespmem:s0], [sflag:$0x1] =	stream.indirect_vreg.gather [hbm4b:s1+s3], $0x80, v3, vm0, $0xb8;
	[tilespmem:$0x18080] =	vst v63  }
0x66: {  	s10 =	rddreg [dreg:$0x1a]  }
0x67: {  	[tilespmem:s10], [sflag:$0x1] =	stream.indirect_vreg.gather [hbm4b:s4+s3], $0x80, v3, vm0, $0xb8;
	[tilespmem:$0x18080] =	vst v63  }
0x68: {  	s0 =	rddreg [dreg:$0x1b]  }
0x69: {  	[tilespmem:s0], [sflag:$0x1] =	stream.indirect_vreg.gather [hbm4b:s5+s3], $0x80, v3, vm0, $0xb8;
	[tilespmem:$0x18080] =	vst v63  }
0x6a: {  	s10 =	rddreg [dreg:$0x1c]  }
0x6b: {  	[tilespmem:s10], [sflag:$0x1] =	stream.indirect_vreg.gather [hbm4b:s6+s3], $0x80, v3, vm0, $0xb8;
	[tilespmem:$0x18080] =	vst v63  }
0x6c: {  	v3 =	vld [tilespmem:$0x30];
	_ =	sdelay $0x4  }
0x6d: {  	v61 =	vshll.u32 v3, $0x3  }
0x6e: {  	v3 =	vand.u32 $0x7, v3;
	v4 =	vand.u32 $0xFFFFFFC0, v61  }
0x6f: {  	v3 =	vor.u32 v3, v4  }
0x70: {  	v4 =	vperm.xlane v3, v0;
	_ =	sdelay $0x1  }
0x71: {  	v4 =	vadd.s32 v1, v4;
	_ =	sdelay $0x3  }
0x72: {  	s0 =	rddreg [dreg:$0x1d]  }
0x73: {  	[tilespmem:s0], [sflag:$0x1] =	stream.indirect_vreg.gather [hbm4b:s1+s3], $0x80, v4, vm0, $0xb8;
	[tilespmem:$0x18080] =	vst v63  }
0x74: {  	s10 =	rddreg [dreg:$0x1e];
	v3 =	vperm.xlane v3, v2  }
0x75: {  	[tilespmem:s10], [sflag:$0x1] =	stream.indirect_vreg.gather [hbm4b:s4+s3], $0x80, v4, vm0, $0xb8;
	[tilespmem:$0x18080] =	vst v63  }
0x76: {  	v3 =	vadd.s32 v1, v3;
	s0 =	rddreg [dreg:$0x1f]  }
0x77: {  	[tilespmem:s0], [sflag:$0x1] =	stream.indirect_vreg.gather [hbm4b:s5+s3], $0x80, v4, vm0, $0xb8;
	[tilespmem:$0x18080] =	vst v63  }
0x78: {  	s10 =	simm.s32 $0xD880  }
0x79: {  	[tilespmem:s10], [sflag:$0x1] =	stream.indirect_vreg.gather [hbm4b:s6+s3], $0x80, v4, vm0, $0xb8;
	[tilespmem:$0x18080] =	vst v63  }
0x7a: {  	_ = 	snop  }
0x7b: {  	[tilespmem:s11], [sflag:$0x1] =	stream.indirect_vreg.gather [hbm4b:s1+s3], $0x80, v3, vm0, $0xb8;
	[tilespmem:$0x18080] =	vst v63  }
0x7c: {  	_ = 	snop  }
0x7d: {  	[tilespmem:s12], [sflag:$0x1] =	stream.indirect_vreg.gather [hbm4b:s4+s3], $0x80, v3, vm0, $0xb8;
	[tilespmem:$0x18080] =	vst v63  }
0x7e: {  	_ = 	snop  }
0x7f: {  	[tilespmem:s13], [sflag:$0x1] =	stream.indirect_vreg.gather [hbm4b:s5+s3], $0x80, v3, vm0, $0xb8;
	[tilespmem:$0x18080] =	vst v63  }
0x80: {  	_ = 	snop  }
0x81: {  	[tilespmem:s14], [sflag:$0x1] =	stream.indirect_vreg.gather [hbm4b:s6+s3], $0x80, v3, vm0, $0xb8;
	[tilespmem:$0x18080] =	vst v63  }
0x82: {  	v3 =	vld [tilespmem:$0x40];
	_ =	sdelay $0x4  }
0x83: {  	v62 =	vshll.u32 v3, $0x3  }
0x84: {  	v3 =	vand.u32 $0x7, v3;
	v4 =	vand.u32 $0xFFFFFFC0, v62  }
0x85: {  	v3 =	vor.u32 v3, v4  }
0x86: {  	v4 =	vperm.xlane v3, v0;
	_ =	sdelay $0x1  }
0x87: {  	v4 =	vadd.s32 v1, v4;
	_ =	sdelay $0x4  }
0x88: {  	[tilespmem:s15], [sflag:$0x1] =	stream.indirect_vreg.gather [hbm4b:s1+s3], $0x80, v4, vm0, $0xb8;
	[tilespmem:$0x18080] =	vst v63  }
0x89: {  	v3 =	vperm.xlane v3, v2  }
0x8a: {  	[tilespmem:s16], [sflag:$0x1] =	stream.indirect_vreg.gather [hbm4b:s4+s3], $0x80, v4, vm0, $0xb8;
	[tilespmem:$0x18080] =	vst v63  }
0x8b: {  	v3 =	vadd.s32 v1, v3  }
0x8c: {  	[tilespmem:s17], [sflag:$0x1] =	stream.indirect_vreg.gather [hbm4b:s5+s3], $0x80, v4, vm0, $0xb8;
	[tilespmem:$0x18080] =	vst v63  }
0x8d: {  	_ = 	snop  }
0x8e: {  	[tilespmem:s18], [sflag:$0x1] =	stream.indirect_vreg.gather [hbm4b:s6+s3], $0x80, v4, vm0, $0xb8;
	[tilespmem:$0x18080] =	vst v63  }
0x8f: {  	_ = 	snop  }
0x90: {  	[tilespmem:s19], [sflag:$0x1] =	stream.indirect_vreg.gather [hbm4b:s1+s3], $0x80, v3, vm0, $0xb8;
	[tilespmem:$0x18080] =	vst v63  }
0x91: {  	_ = 	snop  }
0x92: {  	[tilespmem:s20], [sflag:$0x1] =	stream.indirect_vreg.gather [hbm4b:s4+s3], $0x80, v3, vm0, $0xb8;
	[tilespmem:$0x18080] =	vst v63  }
0x93: {  	_ = 	snop  }
0x94: {  	[tilespmem:s21], [sflag:$0x1] =	stream.indirect_vreg.gather [hbm4b:s5+s3], $0x80, v3, vm0, $0xb8;
	[tilespmem:$0x18080] =	vst v63  }
0x95: {  	_ = 	snop  }
0x96: {  	[tilespmem:s22], [sflag:$0x1] =	stream.indirect_vreg.gather [hbm4b:s6+s3], $0x80, v3, vm0, $0xb8;
	[tilespmem:$0x18080] =	vst v63  }
0x97: {  	v3 =	vld [tilespmem:$0x50];
	_ =	sdelay $0x4  }
0x98: {  	v63 =	vshll.u32 v3, $0x3  }
0x99: {  	v3 =	vand.u32 $0x7, v3;
	v4 =	vand.u32 $0xFFFFFFC0, v63  }
0x9a: {  	v3 =	vor.u32 v3, v4  }
0x9b: {  	v4 =	vperm.xlane v3, v0;
	_ =	sdelay $0x1  }
0x9c: {  	v4 =	vadd.s32 v1, v4;
	_ =	sdelay $0x4  }
0x9d: {  	[tilespmem:s23], [sflag:$0x1] =	stream.indirect_vreg.gather [hbm4b:s1+s3], $0x80, v4, vm0, $0xb8;
	[tilespmem:$0x18080] =	vst v63  }
0x9e: {  	v3 =	vperm.xlane v3, v2  }
0x9f: {  	[tilespmem:s24], [sflag:$0x1] =	stream.indirect_vreg.gather [hbm4b:s4+s3], $0x80, v4, vm0, $0xb8;
	[tilespmem:$0x18080] =	vst v63  }
0xa0: {  	v3 =	vadd.s32 v1, v3  }
0xa1: {  	[tilespmem:s25], [sflag:$0x1] =	stream.indirect_vreg.gather [hbm4b:s5+s3], $0x80, v4, vm0, $0xb8;
	[tilespmem:$0x18080] =	vst v63  }
0xa2: {  	_ = 	snop  }
0xa3: {  	[tilespmem:s26], [sflag:$0x1] =	stream.indirect_vreg.gather [hbm4b:s6+s3], $0x80, v4, vm0, $0xb8;
	[tilespmem:$0x18080] =	vst v63  }
0xa4: {  	_ = 	snop  }
0xa5: {  	[tilespmem:s28], [sflag:$0x1] =	stream.indirect_vreg.gather [hbm4b:s1+s3], $0x80, v3, vm0, $0xb8;
	[tilespmem:$0x18080] =	vst v63  }
0xa6: {  	_ = 	snop  }
0xa7: {  	[tilespmem:s29], [sflag:$0x1] =	stream.indirect_vreg.gather [hbm4b:s4+s3], $0x80, v3, vm0, $0xb8;
	[tilespmem:$0x18080] =	vst v63  }
0xa8: {  	_ = 	snop  }
0xa9: {  	[tilespmem:s30], [sflag:$0x1] =	stream.indirect_vreg.gather [hbm4b:s5+s3], $0x80, v3, vm0, $0xb8;
	[tilespmem:$0x18080] =	vst v63  }
0xaa: {  	_ = 	snop  }
0xab: {  	[tilespmem:s31], [sflag:$0x1] =	stream.indirect_vreg.gather [hbm4b:s6+s3], $0x80, v3, vm0, $0xb8;
	[tilespmem:$0x18080] =	vst v63  }
0xac: {  	_ =	swait.ge [sflag:s2], $0x18000  }
0xad: {  	p0 =	sne.s32 s7, $0x1;
	[sflag:s2] =	ssyncset.done $0x0  }
.Ltmp0:
0xae: {  	s10 =	rddreg [dreg:$0x5];
	[sflag:s2] =	ssyncadd.s32 $0xFFFE8000;
	(pc) =	sbr.rel @p0 .LBB2_1-.Ltmp0, $4  }
0xaf: {  	[hbm4b:s10+s3] =	stream.linear.scatter [tilespmem:s9], [sflag:$0x2], $0x18000, $0x38;
	[tilespmem:$0x18080] =	vst v63  }
0xb0: {  	_ =	swait.ge [sflag:s8], $0x18000  }
0xb1: {  	[sflag:s8] =	ssyncset.done $0x0  }
0xb2: {  	s7 =	sadd.s32 $0xFFFFFFFF, s7;
	[sflag:s8] =	ssyncadd.s32 $0xFFFE8000  }
0xb3: {  	_ =	sfence.sel $0x180000  }
0xb4: {  	[bflag:$0x0] =	sbarrier.arrive $0xFFFF  }
0xb5: {  	_ =	strace $0x90000047  }
0xb6: {  	s0 =	stileid.u32;
	[bflag:$0x2] =	sbarrier.arrive $0xFFFF  }
0xb7: {  	p0 =	sne.s32 s0, $0x0;
	s0 =	rddreg [dreg:$0x3]  }
0xb8: {  	s0 =	sadd.s32 @!p0 $0x100000, s0  }
0xb9: {  	[sflag:s0] =	ssyncadd.tile.s32 @!p0 $0x1;
	_ =	shalt  }
.Lfunc_end2:
_tile_overlayer_lowered:
.L_overlay_start_2:
0xba: {  	(tag) =	ssettag $0x2  }
0xbb: {  	s0 =	rddreg [dreg:$0x0];
	s2 =	stileid.u32  }
0xbc: {  	s1 =	rddreg [dreg:$0x1];
	p0 =	sne.s32 s2, $0x0  }
0xbd: {  	s3 =	rddreg [dreg:$0x2];
	[bflag:$0x3] =	sbarrier.arrive $0xFFFF;
	s2 =	simm.s32 @!p0 $0x1C02  }
0xbe: {  	[timem:s3], [sflag:s2] =	dma.local @!p0 [hbm:s0], s1  }
0xbf: {  	s0 =	simm.s32 @!p0 $0x2  }
0xc0: {  	_ =	swait.ge @!p0 [sflag:s0], s1  }
0xc1: {  	s1 =	ssub.s32 @!p0 $0x0, s1;
	[sflag:s0] =	ssyncset.done @!p0 $0x0  }
0xc2: {  	[sflag:s0] =	ssyncadd.s32 @!p0 s1  }
0xc3: {  	[bflag:$0x3] =	sbarrier.arrive $0xFFFF  }
0xc4: {  	_ =	shalt  }

// kernel: kernel.9.cloned.1.call-start
scs
__scs_entry_jumppad:
0x0: {  	(pc) =	sbr.rel $0x88, $3  }
0x1: {  	(tag) =	ssettag $0x0;
	lr =	simm.s32 $0x1  }
0x2: {  	[smem:$0x3F9D] =	sst lr;
	_ =	strace $0xD0000000  }
0x3: {  	_ = 	snop  }
0x4: {  	_ = 	snop  }
0x5: {  	_ = 	snop  }
0x6: {  	_ = 	snop  }
0x7: {  	_ = 	snop  }
__scs_overlays_trampoline_lowered:
0x8: {  	[smem:$0x3FAC] =	sst s0  }
0x9: {  	[smem:$0x3FAD] =	sst s1  }
0xa: {  	[smem:$0x3FAE] =	sst s2  }
0xb: {  	[smem:$0x3FAF] =	sst s3  }
0xc: {  	[smem:$0x3FB0] =	sst s4  }
0xd: {  	[smem:$0x3FB1] =	sst s5  }
0xe: {  	[smem:$0x3FB2] =	sst s6  }
0xf: {  	[smem:$0x3FB3] =	sst s7  }
0x10: {  	[smem:$0x3FB4] =	sst s8  }
0x11: {  	[smem:$0x3FB5] =	sst s9;
	s0 =	simm.s32 @!p0 $0x0  }
0x12: {  	s1 =	sld [smem:$0x3F9B];
	s0 =	simm.s32 @p0 $0x1  }
0x13: {  	[smem:$0x3FB6] =	sst s0;
	s0 =	simm.s32 @!p1 $0x0  }
0x14: {  	s2 =	sld [smem:$0x3F9A];
	s0 =	simm.s32 @p1 $0x1  }
0x15: {  	[smem:$0x3FB7] =	sst s0;
	s0 =	simm.s32 @!p2 $0x0  }
0x16: {  	s3 =	sld [smem:$0x3FDB];
	s0 =	simm.s32 @p2 $0x1  }
0x17: {  	s4 =	simm.s32 $0x1BF5;
	[smem:$0x3FB9] =	sst s0  }
0x18: {  	s0 =	sld [smem:$0x3F9C];
	_ =	swait.ge [sflag:s4], $0x0  }
0x19: {  	s7 =	sld [smem:$0x3F9D]  }
0x1a: {  	s8 =	sadd.s32 $0xFFFFE003, lr  }
0x1b: {  	s9 =	sadd.s32 $0xFFFFFEF7, lr;
	s5 =	simm.s32 $0xFFFFFFFF;
	p2 =	slt.u32 s8, $0xFFFFF086  }
0x1c: {  	p1 =	slt.u32 s9, $0xF7A;
	s5 =	simm.s32 @!p2 $0x0  }
0x1d: {  	s5 =	simm.s32 @p1 $0x1;
	p0 =	seq.s32 s7, s2  }
0x1e: {  	s7 =	smul.u32 @!p0 $0xF7A, s2;
	p2 =	seq.s32 @!p0 s5, $0x0  }
0x1f: {  	s9 =	smul.u32 $0xF7A, s1;
	s8 =	simm.s32 @!p0 $0x1BF5;
	p2 =	por !p2, p0  }
0x20: {  	[sflag:s8] =	ssyncset.s32 @!p0 $0xFFFFF086;
	s6 =	sadd.s32 @!p0 s3, s7;
	s7 =	simm.s32 @!p0 $0x108  }
0x21: {  	s3 =	sadd.s32 s3, s9;
	s6 =	sadd.s32 @!p0 $0x88, s6;
	s7 =	simm.s32 @p2 $0x1082  }
0x22: {  	[simem:s7], [sflag:s8] =	dma.local @!p0 [hbm:s6], $0xF7A  }
0x23: {  	s9 =	sor.u32 $0xD0000000, s2;
	s6 =	simm.s32 $0x108;
	_ =	swait.ge @!p0 [sflag:s8], $0x0  }
0x24: {  	s3 =	sadd.s32 $0x88, s3;
	s6 =	simm.s32 @!p1 $0x1082;
	[sflag:s4] =	ssyncset.s32 $0xFFFFF086  }
0x25: {  	[simem:s6], [sflag:s4] =	dma.local [hbm:s3], $0xF7A  }
0x26: {  	[smem:$0x3F9D] =	sst s1;
	(tag) =	ssettag s2;
	_ =	strace s9  }
0x27: {  	s1 =	sld [smem:$0x3FAD]  }
0x28: {  	s2 =	sld [smem:$0x3FAE]  }
0x29: {  	s4 =	sld [smem:$0x3FB0]  }
0x2a: {  	p0 =	seq.s32 s5, $0x0;
	s5 =	sld [smem:$0x3FB1]  }
0x2b: {  	s6 =	sld [smem:$0x3FB2]  }
0x2c: {  	s7 =	sld [smem:$0x3FB3]  }
0x2d: {  	s3 =	simm.s32 $0x108;
	s8 =	sld [smem:$0x3FB4]  }
0x2e: {  	s3 =	simm.s32 @!p0 $0x1082;
	s9 =	sld [smem:$0x3FB5]  }
0x2f: {  	lr =	sadd.s32 s0, s3;
	s0 =	sld [smem:$0x3FAC]  }
0x30: {  	s3 =	sld [smem:$0x3FAF]  }
0x31: {  	[smem:$0x3FB8] =	sst s10  }
0x32: {  	s10 =	sld [smem:$0x3FB6];
	_ =	sdelay $0x3  }
0x33: {  	p0 =	seq.s32 s10, $0x1;
	s10 =	sld [smem:$0x3FB8];
	_ =	sdelay $0x3  }
0x34: {  	[smem:$0x3FB8] =	sst s10  }
0x35: {  	s10 =	sld [smem:$0x3FB7];
	_ =	sdelay $0x3  }
0x36: {  	p1 =	seq.s32 s10, $0x1;
	s10 =	sld [smem:$0x3FB8];
	_ =	sdelay $0x3  }
0x37: {  	[smem:$0x3FB8] =	sst s10  }
0x38: {  	s10 =	sld [smem:$0x3FB9]  }
0x39: {  	_ = 	snop;
	(pc) =	sbr.ind lr, $3  }
0x3a: {  	_ = 	snop  }
0x3b: {  	_ = 	snop  }
0x3c: {  	p2 =	seq.s32 s10, $0x1;
	s10 =	sld [smem:$0x3FB8]  }
0x3d: {  	_ =	shalt  }
0x3e: {  	_ =	shalt  }
0x3f: {  	_ =	shalt  }
0x40: {  	_ =	shalt  }
0x41: {  	_ =	shalt  }
0x42: {  	_ =	shalt  }
0x43: {  	_ =	shalt  }
0x44: {  	_ =	shalt  }
0x45: {  	_ =	shalt  }
0x46: {  	_ =	shalt  }
0x47: {  	_ =	shalt  }
0x48: {  	_ =	shalt  }
0x49: {  	_ =	shalt  }
0x4a: {  	_ =	shalt  }
0x4b: {  	_ =	shalt  }
0x4c: {  	_ =	shalt  }
0x4d: {  	_ =	shalt  }
0x4e: {  	_ =	shalt  }
0x4f: {  	_ =	shalt  }
0x50: {  	_ =	shalt  }
0x51: {  	_ =	shalt  }
0x52: {  	_ =	shalt  }
0x53: {  	_ =	shalt  }
0x54: {  	_ =	shalt  }
0x55: {  	_ =	shalt  }
0x56: {  	_ =	shalt  }
0x57: {  	_ =	shalt  }
0x58: {  	_ =	shalt  }
0x59: {  	_ =	shalt  }
0x5a: {  	_ =	shalt  }
0x5b: {  	_ =	shalt  }
0x5c: {  	_ =	shalt  }
0x5d: {  	_ =	shalt  }
0x5e: {  	_ =	shalt  }
0x5f: {  	_ =	shalt  }
0x60: {  	_ =	shalt  }
0x61: {  	_ =	shalt  }
0x62: {  	_ =	shalt  }
0x63: {  	_ =	shalt  }
0x64: {  	_ =	shalt  }
0x65: {  	_ =	shalt  }
0x66: {  	_ =	shalt  }
0x67: {  	_ =	shalt  }
0x68: {  	_ =	shalt  }
0x69: {  	_ =	shalt  }
0x6a: {  	_ =	shalt  }
0x6b: {  	_ =	shalt  }
0x6c: {  	_ =	shalt  }
0x6d: {  	_ =	shalt  }
0x6e: {  	_ =	shalt  }
0x6f: {  	_ =	shalt  }
0x70: {  	_ =	shalt  }
0x71: {  	_ =	shalt  }
0x72: {  	_ =	shalt  }
0x73: {  	_ =	shalt  }
0x74: {  	_ =	shalt  }
0x75: {  	_ =	shalt  }
0x76: {  	_ =	shalt  }
0x77: {  	_ =	shalt  }
0x78: {  	_ =	shalt  }
0x79: {  	_ =	shalt  }
0x7a: {  	_ =	shalt  }
0x7b: {  	_ =	shalt  }
0x7c: {  	_ =	shalt  }
0x7d: {  	_ =	shalt  }
0x7e: {  	_ =	shalt  }
0x7f: {  	_ =	shalt  }
0x80: {  	_ =	shalt  }
0x81: {  	_ =	shalt  }
0x82: {  	_ =	shalt  }
0x83: {  	_ =	shalt  }
0x84: {  	_ =	shalt  }
0x85: {  	_ =	shalt  }
0x86: {  	_ =	shalt  }
0x87: {  	_ =	shalt  }
.Lfunc_end0:
.L_simem_size_0:
called_computation.1_lowered:
.L_overlay_start_0:
0x88: {  	s2 =	sld [smem:$0x3FD9]  }
0x89: {  	s3 =	sld [smem:$0x3FFE];
	_ =	sdelay $0x1  }
0x8a: {  	s1 =	srdreg.scid  }
0x8b: {  	s0 =	sand.u32 $0x1, s1  }
0x8c: {  	s17 =	sshll.u32 s0, $0xA;
	s2 =	sadd.s32 s3, s2  }
0x8d: {  	s2 =	sadd.s32 s2, s17  }
0x8e: {  	[smem:$0x3FC4] =	sst s2  }
0x8f: {  	_ = 	snop  }
0x90: {  	s2 =	sld [smem:$0x3FD0];
	(tm) =	ssettm $0x1  }
0x91: {  	s18 =	sld [smem:$0x3FFB];
	_ =	sdelay $0x3  }
0x92: {  	_ =	strace s18  }
0x93: {  	s3 =	sld [smem:$0x3FFC];
	_ =	sdelay $0x3  }
0x94: {  	_ =	strace s3  }
0x95: {  	s3 =	sld [smem:$0x3FFD];
	_ =	sdelay $0x3  }
0x96: {  	_ =	strace s3  }
0x97: {  	_ =	strace $0x8FFFFFFF  }
0x98: {  	s19 =	sld [smem:$0x3FDB];
	_ =	sdelay $0x1  }
0x99: {  	s4 =	simm.s32 $_scs_section_size  }
0x9a: {  	s5 =	simm.s32 $_size__tile_overlayer_lowered;
	s6 =	simm.s32 $_tile_overlayer_lowered  }
0x9b: {  	s22 =	simm.s32 $0x1BFF;
	s21 =	sshll.u32 s6, $0x1;
	s3 =	sadd.s32 s4, s19  }
0x9c: {  	s7 =	simm.s32 $0x0;
	s20 =	sshll.u32 s5, $0x1;
	s5 =	sadd.s32 s21, s3  }
0x9d: {  	[timem:s7], [sflag:s22] =	dma.local [hbm:s5], s20  }
0x9e: {  	_ =	swait.ge [sflag:s22], s20  }
0x9f: {  	s4 =	ssub.s32 $0x0, s20;
	[sflag:s22] =	ssyncset.done $0x0  }
0xa0: {  	[sflag:s22] =	ssyncadd.s32 s4;
	_ =	sdelay $0x1  }
0xa1: {  	s23 =	simm.s32 $0x1B8B  }
0xa2: {  	_ =	swait.ge [sflag:s23], $0x1  }
0xa3: {  	[sflag:s23] =	ssyncset.done $0x0  }
0xa4: {  	s25 =	simm.s32 $0x1B8E;
	s24 =	sld [smem:$0x3FFE];
	[sflag:s23] =	ssyncadd.s32 $0xFFFFFFFF  }
0xa5: {  	s26 =	simm.s32 $execute0_lowered;
	[smem:$0x3FD2] =	sst s25  }
0xa6: {  	s5 =	sshll.u32 s26, $0x1;
	_ =	strace $0x80000049;
	[dreg:$0x1] =	wrdreg $0xFFFFFFFF  }
0xa7: {  	s28 =	simm.s32 $_size_execute0_lowered;
	s3 =	sadd.s32 s3, s5;
	[dreg:$0x0] =	wrdreg $0x0  }
0xa8: {  	s5 =	sshll.u32 s28, $0x1;
	[dreg:$0x2] =	wrdreg s3  }
0xa9: {  	[dreg:$0x3] =	wrdreg s5  }
0xaa: {  	[dreg:$0x4] =	wrdreg $0xC0  }
0xab: {  	_ =	task [dreg:s7], $0x5FFFF  }
0xac: {  	[dreg:$0x1] =	wrdreg $0xFFFFFFFF  }
0xad: {  	[dreg:$0x0] =	wrdreg $0x60  }
0xae: {  	[dreg:$0x2] =	wrdreg s24  }
0xaf: {  	[dreg:$0x3] =	wrdreg s2  }
0xb0: {  	[dreg:$0x4] =	wrdreg $0x9  }
0xb1: {  	_ =	task.clear_ibuf [dreg:s7], $0x5FFFF;
	_ =	strace $0x90000049  }
0xb2: {  	s29 =	simm.s32 $0x9;
	_ =	strace $0x8000004B  }
0xb3: {  	_ =	swait.ge [sflag:s29], $0x1  }
0xb4: {  	[sflag:s29] =	ssyncadd.s32 $0xFFFFFFFF  }
0xb5: {  	_ =	strace $0x9000004B  }
0xb6: {  	_ =	sfence  }
0xb7: {  	s30 =	sld [smem:$0x0];
	_ =	sdelay $0x2  }
0xb8: {  	s31 =	sshll.u32 s1, $0xD;
	s1 =	sshrl.u32 s1, $0x2  }
0xb9: {  	s3 =	sand.u32 $0x4000, s31;
	s1 =	sadd.s32 s1, s30  }
0xba: {  	s0 =	sor.u32 s3, s0;
	s1 =	sshll.u32 s1, $0x11  }
0xbb: {  	s0 =	sor.u32 s1, s0  }
0xbc: {  	s0 =	sadd.s32 $0x8F2B, s0  }
0xbd: {  	[sflag:s0] =	ssyncadd.remote.s32 $0x1  }
0xbe: {  	_ =	sfence.sel $0xFFFF  }
0xbf: {  	[dreg:$0x0] =	wrdreg $0xFFFFFFFF;
	(pc) =	sbr.abs _section_cstart, $3  }
0xc0: {  	[dreg:$0x1] =	wrdreg $0xFFFFFFFF  }
0xc1: {  	_ =	task.clear_ibuf [dreg:s7], $0x2FFFF;
	_ =	strace $0x9FFFFFFF  }
0xc2: {  	(tm) =	ssettm $0x7FFFFFFF  }
0xc3: {  	_ =	shalt  }
tec
execute0_lowered:
.L_overlay_start_1:
0x0: {  	(tag) =	ssettag $0x1  }
0x1: {  	s0 =	rddreg [dreg:$0x0]  }
0x2: {  	s3 =	rddreg [dreg:$0x1]  }
0x3: {  	s1 =	srdreg.scid;
	s2 =	simm.s32 $0x0;
	s12 =	stileid.u32  }
0x4: {  	s15 =	simm.s32 $0x880;
	s16 =	simm.s32 $0x1080;
	s17 =	simm.s32 $0x1880  }
0x5: {  	s19 =	simm.s32 $0x2080;
	s21 =	simm.s32 $0x2880;
	s22 =	simm.s32 $0x3080  }
0x6: {  	s23 =	simm.s32 $0x3880;
	s24 =	simm.s32 $0x4080;
	[smem:$0x7FF] =	sst s2  }
0x7: {  	s25 =	simm.s32 $0x4880;
	_ =	strace $0x8000004A;
	[dreg:$0x5] =	wrdreg s15  }
0x8: {  	s26 =	simm.s32 $0x5080;
	s11 =	simm.s32 $0x6080;
	[dreg:$0x6] =	wrdreg s16  }
0x9: {  	s28 =	simm.s32 $0xE080;
	s29 =	simm.s32 $0xE880;
	[dreg:$0x7] =	wrdreg s17  }
0xa: {  	s30 =	simm.s32 $0xF080;
	s31 =	simm.s32 $0xF880;
	[dreg:$0x8] =	wrdreg s19  }
0xb: {  	s4 =	sand.u32 $0x1, s1;
	s6 =	sshrl.u32 s12, $0x2;
	[dreg:$0x9] =	wrdreg s21  }
0xc: {  	s7 =	sshll.u32 s12, $0x6;
	s9 =	sshll.u32 s12, $0x1;
	[dreg:$0xa] =	wrdreg s22  }
0xd: {  	s12 =	simm.s32 $0x6880;
	s5 =	sshll.u32 s4, $0x3;
	[dreg:$0xb] =	wrdreg s23  }
0xe: {  	s8 =	sshll.u32 s6, $0x4;
	s7 =	sand.u32 $0xC0, s7;
	[dreg:$0xc] =	wrdreg s24  }
0xf: {  	s13 =	sand.u32 $0x6, s9;
	s6 =	sshll.u32 s6, $0x10;
	[dreg:$0xd] =	wrdreg s25  }
0x10: {  	s9 =	simm.s32 $0x80;
	[dreg:$0xe] =	wrdreg s26;
	s15 =	simm.s32 $0x8080  }
0x11: {  	s16 =	simm.s32 $0x8880;
	s17 =	simm.s32 $0x9080;
	s19 =	simm.s32 $0xA080  }
0x12: {  	s21 =	simm.s32 $0xB080;
	s22 =	simm.s32 $0xB880;
	s23 =	simm.s32 $0xC080  }
0x13: {  	s24 =	simm.s32 $0xC880;
	s25 =	simm.s32 $0xD080;
	s26 =	simm.s32 $0xD880  }
0x14: {  	s5 =	sadd.s32 s5, s0;
	s14 =	sor.u32 s4, s13;
	s3 =	sadd.s32 s3, s6  }
0x15: {  	s4 =	ssub.s32 $0x2, s4;
	s6 =	sadd.s32 $0x1900, s0;
	s13 =	simm.s32 $0x7080  }
0x16: {  	s5 =	sadd.s32 s8, s5;
	s18 =	sshrl.u32 s4, $0x1;
	s8 =	simm.s32 $0x2  }
0x17: {  	s5 =	sadd.s32 s7, s5;
	s7 =	sshll.u32 s14, $0xD;
	s20 =	ssub.s32 s4, s18  }
0x18: {  	s4 =	sadd.s32 $0x1700, s0;
	s14 =	simm.s32 $0x7880;
	s5 =	sadd.s32 $0x1400, s5  }
0x19: {  	v2 =	vlaneseq.u32;
	s18 =	simm.s32 $0x9880;
	s3 =	sadd.s32 s7, s3;
	[dreg:$0x3] =	wrdreg s5  }
0x1a: {  	vm0 =	vmmov $0xffff;
	v1 =	vshrl.u32 v2, $0x3;
	s7 =	smax.u32 s20, $0x1;
	s20 =	simm.s32 $0xA880;
	[dreg:$0x4] =	wrdreg s3  }
0x1b: {  	v0 =	vand.u32 $0x7, v2;
	v2 =	vor.u32 $0x8, v2;
	v1 =	vmul.u32 $0x8, v1;
	s3 =	sadd.s32 $0x1600, s0;
	s5 =	sadd.s32 $0x1800, s0;
	s0 =	simm.s32 $0x1  }
.LBB2_1:
0x1c: {  	s1 =	rddreg [dreg:$0x3]  }
0x1d: {  	[tilespmem:s2], [sflag:$0x2] =	stream.linear.gather [hbm4b:s1+s2], $0x40, $0x38;
	[tilespmem:$0x10080] =	vst v63  }
0x1e: {  	_ =	swait.ge [sflag:s8], $0x40  }
0x1f: {  	[sflag:s8] =	ssyncset.done $0x0  }
0x20: {  	[sflag:s8] =	ssyncadd.s32 $0xFFFFFFC0  }
0x21: {  	v3 =	vld [tilespmem:$0x0];
	_ =	sdelay $0x4  }
0x22: {  	v4 =	vshll.u32 v3, $0x3  }
0x23: {  	v3 =	vand.u32 $0x7, v3;
	v4 =	vand.u32 $0xFFFFFFC0, v4  }
0x24: {  	v3 =	vor.u32 v3, v4  }
0x25: {  	v4 =	vperm.xlane v3, v0;
	_ =	sdelay $0x1  }
0x26: {  	v4 =	vadd.s32 v1, v4;
	_ =	sdelay $0x4  }
0x27: {  	[tilespmem:s9], [sflag:$0x1] =	stream.indirect_vreg.gather [hbm4b:s3+s2], $0x80, v4, vm0, $0xb8;
	[tilespmem:$0x10080] =	vst v63  }
0x28: {  	s1 =	rddreg [dreg:$0x5];
	v3 =	vperm.xlane v3, v2  }
0x29: {  	[tilespmem:s1], [sflag:$0x1] =	stream.indirect_vreg.gather [hbm4b:s4+s2], $0x80, v4, vm0, $0xb8;
	[tilespmem:$0x10080] =	vst v63  }
0x2a: {  	s10 =	rddreg [dreg:$0x6];
	v3 =	vadd.s32 v1, v3  }
0x2b: {  	[tilespmem:s10], [sflag:$0x1] =	stream.indirect_vreg.gather [hbm4b:s5+s2], $0x80, v4, vm0, $0xb8;
	[tilespmem:$0x10080] =	vst v63  }
0x2c: {  	s1 =	rddreg [dreg:$0x7]  }
0x2d: {  	[tilespmem:s1], [sflag:$0x1] =	stream.indirect_vreg.gather [hbm4b:s6+s2], $0x80, v4, vm0, $0xb8;
	[tilespmem:$0x10080] =	vst v63  }
0x2e: {  	s10 =	rddreg [dreg:$0x8]  }
0x2f: {  	[tilespmem:s10], [sflag:$0x1] =	stream.indirect_vreg.gather [hbm4b:s3+s2], $0x80, v3, vm0, $0xb8;
	[tilespmem:$0x10080] =	vst v63  }
0x30: {  	s1 =	rddreg [dreg:$0x9]  }
0x31: {  	[tilespmem:s1], [sflag:$0x1] =	stream.indirect_vreg.gather [hbm4b:s4+s2], $0x80, v3, vm0, $0xb8;
	[tilespmem:$0x10080] =	vst v63  }
0x32: {  	s10 =	rddreg [dreg:$0xa]  }
0x33: {  	[tilespmem:s10], [sflag:$0x1] =	stream.indirect_vreg.gather [hbm4b:s5+s2], $0x80, v3, vm0, $0xb8;
	[tilespmem:$0x10080] =	vst v63  }
0x34: {  	s1 =	rddreg [dreg:$0xb]  }
0x35: {  	[tilespmem:s1], [sflag:$0x1] =	stream.indirect_vreg.gather [hbm4b:s6+s2], $0x80, v3, vm0, $0xb8;
	[tilespmem:$0x10080] =	vst v63  }
0x36: {  	v3 =	vld [tilespmem:$0x10];
	_ =	sdelay $0x4  }
0x37: {  	v61 =	vshll.u32 v3, $0x3  }
0x38: {  	v3 =	vand.u32 $0x7, v3;
	v4 =	vand.u32 $0xFFFFFFC0, v61  }
0x39: {  	v3 =	vor.u32 v3, v4  }
0x3a: {  	v4 =	vperm.xlane v3, v0;
	_ =	sdelay $0x1  }
0x3b: {  	v4 =	vadd.s32 v1, v4;
	_ =	sdelay $0x3  }
0x3c: {  	s1 =	rddreg [dreg:$0xc]  }
0x3d: {  	[tilespmem:s1], [sflag:$0x1] =	stream.indirect_vreg.gather [hbm4b:s3+s2], $0x80, v4, vm0, $0xb8;
	[tilespmem:$0x10080] =	vst v63  }
0x3e: {  	s10 =	rddreg [dreg:$0xd];
	v3 =	vperm.xlane v3, v2  }
0x3f: {  	[tilespmem:s10], [sflag:$0x1] =	stream.indirect_vreg.gather [hbm4b:s4+s2], $0x80, v4, vm0, $0xb8;
	[tilespmem:$0x10080] =	vst v63  }
0x40: {  	v3 =	vadd.s32 v1, v3;
	s1 =	rddreg [dreg:$0xe]  }
0x41: {  	[tilespmem:s1], [sflag:$0x1] =	stream.indirect_vreg.gather [hbm4b:s5+s2], $0x80, v4, vm0, $0xb8;
	[tilespmem:$0x10080] =	vst v63  }
0x42: {  	s10 =	simm.s32 $0x5880  }
0x43: {  	[tilespmem:s10], [sflag:$0x1] =	stream.indirect_vreg.gather [hbm4b:s6+s2], $0x80, v4, vm0, $0xb8;
	[tilespmem:$0x10080] =	vst v63  }
0x44: {  	_ = 	snop  }
0x45: {  	[tilespmem:s11], [sflag:$0x1] =	stream.indirect_vreg.gather [hbm4b:s3+s2], $0x80, v3, vm0, $0xb8;
	[tilespmem:$0x10080] =	vst v63  }
0x46: {  	_ = 	snop  }
0x47: {  	[tilespmem:s12], [sflag:$0x1] =	stream.indirect_vreg.gather [hbm4b:s4+s2], $0x80, v3, vm0, $0xb8;
	[tilespmem:$0x10080] =	vst v63  }
0x48: {  	_ = 	snop  }
0x49: {  	[tilespmem:s13], [sflag:$0x1] =	stream.indirect_vreg.gather [hbm4b:s5+s2], $0x80, v3, vm0, $0xb8;
	[tilespmem:$0x10080] =	vst v63  }
0x4a: {  	_ = 	snop  }
0x4b: {  	[tilespmem:s14], [sflag:$0x1] =	stream.indirect_vreg.gather [hbm4b:s6+s2], $0x80, v3, vm0, $0xb8;
	[tilespmem:$0x10080] =	vst v63  }
0x4c: {  	v3 =	vld [tilespmem:$0x20];
	_ =	sdelay $0x4  }
0x4d: {  	v62 =	vshll.u32 v3, $0x3  }
0x4e: {  	v3 =	vand.u32 $0x7, v3;
	v4 =	vand.u32 $0xFFFFFFC0, v62  }
0x4f: {  	v3 =	vor.u32 v3, v4  }
0x50: {  	v4 =	vperm.xlane v3, v0;
	_ =	sdelay $0x1  }
0x51: {  	v4 =	vadd.s32 v1, v4;
	_ =	sdelay $0x4  }
0x52: {  	[tilespmem:s15], [sflag:$0x1] =	stream.indirect_vreg.gather [hbm4b:s3+s2], $0x80, v4, vm0, $0xb8;
	[tilespmem:$0x10080] =	vst v63  }
0x53: {  	v3 =	vperm.xlane v3, v2  }
0x54: {  	[tilespmem:s16], [sflag:$0x1] =	stream.indirect_vreg.gather [hbm4b:s4+s2], $0x80, v4, vm0, $0xb8;
	[tilespmem:$0x10080] =	vst v63  }
0x55: {  	v3 =	vadd.s32 v1, v3  }
0x56: {  	[tilespmem:s17], [sflag:$0x1] =	stream.indirect_vreg.gather [hbm4b:s5+s2], $0x80, v4, vm0, $0xb8;
	[tilespmem:$0x10080] =	vst v63  }
0x57: {  	_ = 	snop  }
0x58: {  	[tilespmem:s18], [sflag:$0x1] =	stream.indirect_vreg.gather [hbm4b:s6+s2], $0x80, v4, vm0, $0xb8;
	[tilespmem:$0x10080] =	vst v63  }
0x59: {  	_ = 	snop  }
0x5a: {  	[tilespmem:s19], [sflag:$0x1] =	stream.indirect_vreg.gather [hbm4b:s3+s2], $0x80, v3, vm0, $0xb8;
	[tilespmem:$0x10080] =	vst v63  }
0x5b: {  	_ = 	snop  }
0x5c: {  	[tilespmem:s20], [sflag:$0x1] =	stream.indirect_vreg.gather [hbm4b:s4+s2], $0x80, v3, vm0, $0xb8;
	[tilespmem:$0x10080] =	vst v63  }
0x5d: {  	_ = 	snop  }
0x5e: {  	[tilespmem:s21], [sflag:$0x1] =	stream.indirect_vreg.gather [hbm4b:s5+s2], $0x80, v3, vm0, $0xb8;
	[tilespmem:$0x10080] =	vst v63  }
0x5f: {  	_ = 	snop  }
0x60: {  	[tilespmem:s22], [sflag:$0x1] =	stream.indirect_vreg.gather [hbm4b:s6+s2], $0x80, v3, vm0, $0xb8;
	[tilespmem:$0x10080] =	vst v63  }
0x61: {  	v3 =	vld [tilespmem:$0x30];
	_ =	sdelay $0x4  }
0x62: {  	v63 =	vshll.u32 v3, $0x3  }
0x63: {  	v3 =	vand.u32 $0x7, v3;
	v4 =	vand.u32 $0xFFFFFFC0, v63  }
0x64: {  	v3 =	vor.u32 v3, v4  }
0x65: {  	v4 =	vperm.xlane v3, v0;
	_ =	sdelay $0x1  }
0x66: {  	v4 =	vadd.s32 v1, v4;
	_ =	sdelay $0x4  }
0x67: {  	[tilespmem:s23], [sflag:$0x1] =	stream.indirect_vreg.gather [hbm4b:s3+s2], $0x80, v4, vm0, $0xb8;
	[tilespmem:$0x10080] =	vst v63  }
0x68: {  	v3 =	vperm.xlane v3, v2  }
0x69: {  	[tilespmem:s24], [sflag:$0x1] =	stream.indirect_vreg.gather [hbm4b:s4+s2], $0x80, v4, vm0, $0xb8;
	[tilespmem:$0x10080] =	vst v63  }
0x6a: {  	v3 =	vadd.s32 v1, v3  }
0x6b: {  	[tilespmem:s25], [sflag:$0x1] =	stream.indirect_vreg.gather [hbm4b:s5+s2], $0x80, v4, vm0, $0xb8;
	[tilespmem:$0x10080] =	vst v63  }
0x6c: {  	_ = 	snop  }
0x6d: {  	[tilespmem:s26], [sflag:$0x1] =	stream.indirect_vreg.gather [hbm4b:s6+s2], $0x80, v4, vm0, $0xb8;
	[tilespmem:$0x10080] =	vst v63  }
0x6e: {  	_ = 	snop  }
0x6f: {  	[tilespmem:s28], [sflag:$0x1] =	stream.indirect_vreg.gather [hbm4b:s3+s2], $0x80, v3, vm0, $0xb8;
	[tilespmem:$0x10080] =	vst v63  }
0x70: {  	_ = 	snop  }
0x71: {  	[tilespmem:s29], [sflag:$0x1] =	stream.indirect_vreg.gather [hbm4b:s4+s2], $0x80, v3, vm0, $0xb8;
	[tilespmem:$0x10080] =	vst v63  }
0x72: {  	_ = 	snop  }
0x73: {  	[tilespmem:s30], [sflag:$0x1] =	stream.indirect_vreg.gather [hbm4b:s5+s2], $0x80, v3, vm0, $0xb8;
	[tilespmem:$0x10080] =	vst v63  }
0x74: {  	_ = 	snop  }
0x75: {  	[tilespmem:s31], [sflag:$0x1] =	stream.indirect_vreg.gather [hbm4b:s6+s2], $0x80, v3, vm0, $0xb8;
	[tilespmem:$0x10080] =	vst v63  }
0x76: {  	_ =	swait.ge [sflag:s0], $0x10000  }
0x77: {  	p0 =	sne.s32 s7, $0x1;
	[sflag:s0] =	ssyncset.done $0x0  }
.Ltmp0:
0x78: {  	s10 =	rddreg [dreg:$0x4];
	[sflag:s0] =	ssyncadd.s32 $0xFFFF0000;
	(pc) =	sbr.rel @p0 .LBB2_1-.Ltmp0, $4  }
0x79: {  	[hbm4b:s10+s2] =	stream.linear.scatter [tilespmem:s9], [sflag:$0x2], $0x10000, $0x38;
	[tilespmem:$0x10080] =	vst v63  }
0x7a: {  	_ =	swait.ge [sflag:s8], $0x10000  }
0x7b: {  	[sflag:s8] =	ssyncset.done $0x0  }
0x7c: {  	s7 =	sadd.s32 $0xFFFFFFFF, s7;
	[sflag:s8] =	ssyncadd.s32 $0xFFFF0000  }
0x7d: {  	_ =	sfence.sel $0x180000  }
0x7e: {  	[bflag:$0x0] =	sbarrier.arrive $0xFFFF  }
0x7f: {  	_ =	strace $0x9000004A  }
0x80: {  	s0 =	stileid.u32;
	[bflag:$0x2] =	sbarrier.arrive $0xFFFF  }
0x81: {  	p0 =	sne.s32 s0, $0x0;
	s0 =	rddreg [dreg:$0x2]  }
0x82: {  	s0 =	sadd.s32 @!p0 $0x100000, s0  }
0x83: {  	[sflag:s0] =	ssyncadd.tile.s32 @!p0 $0x1;
	_ =	shalt  }
.Lfunc_end2:
_tile_overlayer_lowered:
.L_overlay_start_2:
0x84: {  	(tag) =	ssettag $0x2  }
0x85: {  	s0 =	rddreg [dreg:$0x0];
	s2 =	stileid.u32  }
0x86: {  	s1 =	rddreg [dreg:$0x1];
	p0 =	sne.s32 s2, $0x0  }
0x87: {  	s3 =	rddreg [dreg:$0x2];
	[bflag:$0x3] =	sbarrier.arrive $0xFFFF;
	s2 =	simm.s32 @!p0 $0x1C02  }
0x88: {  	[timem:s3], [sflag:s2] =	dma.local @!p0 [hbm:s0], s1  }
0x89: {  	s0 =	simm.s32 @!p0 $0x2  }
0x8a: {  	_ =	swait.ge @!p0 [sflag:s0], s1  }
0x8b: {  	s1 =	ssub.s32 @!p0 $0x0, s1;
	[sflag:s0] =	ssyncset.done @!p0 $0x0  }
0x8c: {  	[sflag:s0] =	ssyncadd.s32 @!p0 s1  }
0x8d: {  	[bflag:$0x3] =	sbarrier.arrive $0xFFFF  }
0x8e: {  	_ =	shalt  }

</sc_bundles>
